<compile_context>
chip_gen: v7x
topology: tpu7x:2x2x1
jax: 0.10.2.dev20260603
libtpu: 0.0.44.dev20260713+nightly
codegen_flags: <defaults>
</compile_context>

<pallas_src>
import functools

import numpy as np
import jax
import jax.numpy as jnp
from jax import lax
from jax.experimental import pallas as pl
from jax.experimental.pallas import tpu as pltpu
from jax.experimental.pallas import tpu_sc as plsc

SEQ_LEN = 8192
BATCH = 128
N_ODD = BATCH // 2
CHUNKS = SEQ_LEN // 16

_U32MAX = np.iinfo(np.uint32).max


def _one_round_max() -> int:
    def rounds(size):
        return int(np.ceil(3 * np.log(max(1, size)) / np.log(_U32MAX)))

    lo, hi = 1, SEQ_LEN
    while lo < hi:
        mid = (lo + hi + 1) // 2
        if rounds(mid) <= 1:
            lo = mid
        else:
            hi = mid - 1
    return lo


ORM = _one_round_max()


def _tf_block(k0, k1, c0, c1):
    k0 = np.uint32(k0)
    k1 = np.uint32(k1)
    ks0, ks1 = k0, k1
    ks2 = k0 ^ k1 ^ np.uint32(0x1BD11BDA)
    c0 = np.asarray(c0, np.uint32)
    c1 = np.asarray(c1, np.uint32)

    def rotl(x, d):
        d = np.uint32(d)
        return (x << d) | (x >> np.uint32(32 - d))

    def four(x0, x1, rots):
        for d in rots:
            x0 = x0 + x1
            x1 = rotl(x1, d)
            x1 = x1 ^ x0
        return x0, x1

    rot_a = (13, 15, 26, 6)
    rot_b = (17, 29, 16, 24)
    with np.errstate(over="ignore"):
        x0 = c0 + ks0
        x1 = c1 + ks1
        x0, x1 = four(x0, x1, rot_a)
        x0 = x0 + ks1
        x1 = x1 + ks2 + np.uint32(1)
        x0, x1 = four(x0, x1, rot_b)
        x0 = x0 + ks2
        x1 = x1 + ks0 + np.uint32(2)
        x0, x1 = four(x0, x1, rot_a)
        x0 = x0 + ks0
        x1 = x1 + ks1 + np.uint32(3)
        x0, x1 = four(x0, x1, rot_b)
        x0 = x0 + ks1
        x1 = x1 + ks2 + np.uint32(4)
        x0, x1 = four(x0, x1, rot_a)
        x0 = x0 + ks2
        x1 = x1 + ks0 + np.uint32(5)
    return x0, x1


def _fold_in(k, i):
    o0, o1 = _tf_block(k[0], k[1], np.uint32(0), np.uint32(i))
    return o0, o1


def _split2(k):
    o0, o1 = _tf_block(k[0], k[1], np.zeros(2, np.uint32), np.arange(2, dtype=np.uint32))
    return (o0[0], o1[0]), (o0[1], o1[1])


def _bits_row(k):
    c1 = np.arange(SEQ_LEN, dtype=np.uint32)
    o0, o1 = _tf_block(k[0], k[1], np.zeros(SEQ_LEN, np.uint32), c1)
    return o0 ^ o1


def _build_tables():
    sig1 = np.empty((N_ODD, SEQ_LEN), np.int32)
    sig2 = np.empty((N_ODD, SEQ_LEN), np.int32)
    for j in range(N_ODD):
        i = 2 * j + 1
        k = _fold_in((np.uint32(0), np.uint32(42)), i)
        k, sub1 = _split2(k)
        k, sub2 = _split2(k)
        sig1[j] = np.argsort(_bits_row(sub1), kind="stable")
        sig2[j] = np.argsort(_bits_row(sub2), kind="stable")
    return sig1, sig2


_SIG1_NP, _SIG2_NP = _build_tables()


_MESH = plsc.VectorSubcoreMesh(core_axis_name="c", subcore_axis_name="s")


@functools.partial(
    pl.kernel,
    mesh=_MESH,
    compiler_params=pltpu.CompilerParams(needs_layout_passes=False),
    out_type=jax.ShapeDtypeStruct((N_ODD, SEQ_LEN), jnp.int32),
    scratch_types=[
        pltpu.VMEM((SEQ_LEN,), jnp.int32),
        pltpu.VMEM((SEQ_LEN,), jnp.int32),
        pltpu.VMEM((SEQ_LEN,), jnp.int32),
        pltpu.VMEM((SEQ_LEN + 16,), jnp.int32),
        pltpu.VMEM((SEQ_LEN + 16,), jnp.int32),
        pltpu.VMEM((SEQ_LEN + 16,), jnp.int32),
    ],
)
def _dropout_sc(x_hbm, sig1_hbm, sig2_hbm, out_hbm, seq_v, s1_v, s2_v, a_v, b_v, o_v):
    wid = lax.axis_index("s") * jnp.int32(2) + lax.axis_index("c")

    zeros16 = jnp.zeros((16,), jnp.int32)
    lanes16 = lax.iota(jnp.int32, 16)

    ones16 = jnp.full((16,), 1, jnp.int32)

    def do_row(r):
        pltpu.sync_copy(x_hbm.at[r], seq_v)
        pltpu.sync_copy(sig1_hbm.at[r], s1_v)
        pltpu.sync_copy(sig2_hbm.at[r], s2_v)

        @plsc.parallel_loop(0, CHUNKS, carry=zeros16, unroll=4)
        def n_splat(t, acc):
            v = seq_v[pl.ds(t * jnp.int32(16), 16)]
            return acc + plsc.all_reduce_population_count(v > 0)

        n_scal = jnp.max(n_splat)
        d_splat = n_splat // jnp.int32(10)
        d_scal = n_scal // jnp.int32(10)

        @plsc.parallel_loop(0, CHUNKS, carry=(zeros16, zeros16), unroll=4)
        def _ab(t, cs):
            ca, cb = cs
            off = t * jnp.int32(16)
            v1 = s1_v[pl.ds(off, 16)]
            v2 = s2_v[pl.ds(off, 16)]
            m1 = v1 < n_splat
            m2 = v2 < n_splat
            o1 = jnp.where(m1, ones16, zeros16)
            o2 = jnp.where(m2, ones16, zeros16)
            i1 = plsc.cumsum(o1)
            i2 = plsc.cumsum(o2)
            plsc.store_scatter(a_v, [ca + i1 - o1], v1, mask=m1)
            plsc.store_scatter(b_v, [cb + i2 - o2], v2, mask=m2)
            return (
                ca + plsc.all_reduce_population_count(m1),
                cb + plsc.all_reduce_population_count(m2),
            )

        @pl.when(d_scal > 0)
        def _():
            use2 = n_splat > jnp.int32(ORM)

            @plsc.parallel_loop(0, (d_scal + jnp.int32(15)) // jnp.int32(16), unroll=4)
            def _drop(mi):
                lanes = lanes16 + mi * jnp.int32(16)
                msk = lanes < d_splat
                bidx = b_v[pl.ds(mi * jnp.int32(16), 16)]
                sel = jnp.where(use2, bidx, lanes)
                sel = jnp.where(msk, sel, zeros16)
                pidx = plsc.load_gather(a_v, [sel])
                pidx = jnp.where(msk, pidx, zeros16)
                plsc.store_scatter(seq_v, [pidx], zeros16, mask=msk)

            @plsc.parallel_loop(0, CHUNKS, carry=zeros16, unroll=4)
            def c_splat(t, cs):
                v = seq_v[pl.ds(t * jnp.int32(16), 16)]
                m = v > 0
                o = jnp.where(m, ones16, zeros16)
                i = plsc.cumsum(o)
                plsc.store_scatter(o_v, [cs + i - o], v, mask=m)
                return cs + plsc.all_reduce_population_count(m)

            c_scal = jnp.max(c_splat)
            plsc.store_scatter(o_v, [c_splat + lanes16], zeros16)

            @plsc.parallel_loop((c_scal + jnp.int32(15)) // jnp.int32(16), CHUNKS, unroll=4)
            def _ztail(t):
                o_v[pl.ds(t * jnp.int32(16), 16)] = zeros16

            pltpu.sync_copy(o_v.at[pl.ds(0, SEQ_LEN)], out_hbm.at[r])

        @pl.when(d_scal == 0)
        def _():
            pltpu.sync_copy(seq_v, out_hbm.at[r])

    do_row(wid)
    do_row(wid + jnp.int32(32))


def kernel(input_ids):
    odd32 = input_ids[1::2].astype(jnp.int32)
    with jax.enable_x64(False):
        out_odd = _dropout_sc(odd32, jnp.asarray(_SIG1_NP), jnp.asarray(_SIG2_NP))
    return input_ids.at[1::2].set(out_odd.astype(input_ids.dtype))

# --- scband reference (transcript-rebuilt; emitter-appended) ---
"""Pipeline reference for scband-random-dropout-7842610283498 (READ-ONLY COPY).

The authoritative reference and input builder live on the scoring server;
editing this copy changes nothing except your own understanding.
"""

import jax
jax.config.update("jax_enable_x64", True)
import jax.numpy as jnp
import numpy as np

N_DROPOUT = 1
MIN_TOKENS = 10
DYNAMIC_DROPOUT = True
BATCH = 128
SEQ_LEN = 8192
VOCAB = 32000


def setup_inputs(seed: int = 0) -> dict:
    key = jax.random.key(seed)
    input_ids = jax.random.randint(key, (BATCH, SEQ_LEN), 0, VOCAB, dtype=jnp.int64)
    return {"input_ids": input_ids}


_UINT32MAX = np.iinfo(np.uint32).max
_SHUFFLE_EXPONENT = 3
_PARTITIONABLE = bool(jax.config.jax_threefry_partitionable)


def _shuffle_num_rounds(size):
    return int(np.ceil(_SHUFFLE_EXPONENT * np.log(max(1, size)) / np.log(_UINT32MAX)))


def _one_round_max():
    lo, hi = 1, SEQ_LEN
    while lo < hi:
        mid = (lo + hi + 1) // 2
        if _shuffle_num_rounds(mid) <= 1:
            lo = mid
        else:
            hi = mid - 1
    return lo


_ONE_ROUND_MAX = _one_round_max()


def _rotl32(x, d):
    return (x << jnp.uint32(d)) | (x >> jnp.uint32(32 - d))


def _threefry2x32_block(k0, k1, c0, c1):
    ks0 = k0
    ks1 = k1
    ks2 = k0 ^ k1 ^ jnp.uint32(0x1BD11BDA)
    x0 = c0 + ks0
    x1 = c1 + ks1

    def four_rounds(x0, x1, rots):
        for d in rots:
            x0 = x0 + x1
            x1 = _rotl32(x1, d)
            x1 = x1 ^ x0
        return x0, x1

    rot_a = (13, 15, 26, 6)
    rot_b = (17, 29, 16, 24)
    x0, x1 = four_rounds(x0, x1, rot_a)
    x0 = x0 + ks1
    x1 = x1 + ks2 + jnp.uint32(1)
    x0, x1 = four_rounds(x0, x1, rot_b)
    x0 = x0 + ks2
    x1 = x1 + ks0 + jnp.uint32(2)
    x0, x1 = four_rounds(x0, x1, rot_a)
    x0 = x0 + ks0
    x1 = x1 + ks1 + jnp.uint32(3)
    x0, x1 = four_rounds(x0, x1, rot_b)
    x0 = x0 + ks1
    x1 = x1 + ks2 + jnp.uint32(4)
    x0, x1 = four_rounds(x0, x1, rot_a)
    x0 = x0 + ks2
    x1 = x1 + ks0 + jnp.uint32(5)
    return x0, x1


def _random_bits_dynamic(subkey, n):
    if _PARTITIONABLE:
        return jax.random.bits(subkey, (SEQ_LEN,), jnp.uint32)
    kd = jax.random.key_data(subkey)
    k0 = kd[0]
    k1 = kd[1]
    idx = jnp.arange(SEQ_LEN, dtype=jnp.uint32)
    n32 = n.astype(jnp.uint32)
    half = ((n + 1) // 2).astype(jnp.uint32)
    in_first = idx < half
    c0 = jnp.where(in_first, idx, idx - half)
    first_c1 = jnp.where(idx + half < n32, idx + half, jnp.uint32(0))
    c1 = jnp.where(in_first, first_c1, idx)
    o0, o1 = _threefry2x32_block(k0, k1, c0, c1)
    return jnp.where(in_first, o0, o1)


def _shuffle_round(x, n, subkey):
    bits = _random_bits_dynamic(subkey, n)
    lane = jnp.arange(SEQ_LEN)
    sort_keys = jnp.where(lane < n, bits, jnp.uint32(_UINT32MAX))
    _, x = jax.lax.sort_key_val(sort_keys, x)
    return x


def _permutation_dynamic(key, n):
    x = jnp.arange(SEQ_LEN)
    key, sub1 = jax.random.split(key)
    x1 = _shuffle_round(x, n, sub1)
    key, sub2 = jax.random.split(key)
    x2 = _shuffle_round(x1, n, sub2)
    return jnp.where(n > _ONE_ROUND_MAX, x2, x1)


def _process_row(seq, key):
    # Faithful translation of the per-row torch logic (training mode):
    # count positive tokens, drop a random subset of the first n_tokens
    # positions, then compact remaining positive tokens to the front.
    n_tokens = jnp.sum(seq > 0)
    n_drop = (n_tokens // 10) if DYNAMIC_DROPOUT else N_DROPOUT
    perm = _permutation_dynamic(key, n_tokens)
    lane = jnp.arange(SEQ_LEN)
    ind = jnp.where(lane < n_drop, perm, SEQ_LEN)
    dropped = seq.at[ind].set(0, mode="drop")
    # stable compaction: positives first (original order), zeros after
    order = jnp.argsort((dropped <= 0).astype(jnp.int32), stable=True)
    compacted = dropped[order]
    compacted = jnp.where(compacted > 0, compacted, jnp.zeros_like(compacted))
    if DYNAMIC_DROPOUT:
        return jnp.where(n_drop > 0, compacted, seq)
    return jnp.where(n_tokens >= MIN_TOKENS, compacted, seq)


def reference(input_ids):
    batch_size = input_ids.shape[0]
    base_key = jax.random.key(42)
    rows = []
    for i in range(batch_size):
        if i % 2 == 1:
            k = jax.random.fold_in(base_key, i)
            rows.append(_process_row(input_ids[i], k))
        else:
            rows.append(input_ids[i])
    return jnp.stack(rows, axis=0)

if __name__ == "__main__":
    import jax
    _d = setup_inputs()
    print(jax.jit(kernel)(*tuple(_d.values())))

</pallas_src>

<mosaic_0001>
#map = affine_map<(d0, d1) -> (0, 0)>
module attributes {stable_mosaic.version = 14 : i64} {
  func.func @_dropout_sc(%arg0: i32, %arg1: i32, %arg2: memref<64x8192xi32, #tpu.memory_space<hbm>>, %arg3: memref<64x8192xi32, #tpu.memory_space<hbm>>, %arg4: memref<64x8192xi32, #tpu.memory_space<hbm>>, %arg5: memref<64x8192xi32, #tpu.memory_space<hbm>>, %arg6: memref<8192xi32, #tpu.memory_space<vmem>>, %arg7: memref<8192xi32, #tpu.memory_space<vmem>>, %arg8: memref<8192xi32, #tpu.memory_space<vmem>>, %arg9: memref<8208xi32, #tpu.memory_space<vmem>>, %arg10: memref<8208xi32, #tpu.memory_space<vmem>>, %arg11: memref<8208xi32, #tpu.memory_space<vmem>>) attributes {dimension_semantics = [#tpu.dimension_semantics<core_parallel>, #tpu.dimension_semantics<subcore_parallel>], iteration_bounds = array<i64: 2, 16>, scalar_prefetch = 0 : i64, scratch_operands = 6 : i64, tpu.core_type = #tpu.core_type<sc_vector_subcore>, window_params = [{transform_indices = #map}, {transform_indices = #map}, {transform_indices = #map}, {transform_indices = #map}]} {
    %mul3A = arith.constant 2 : i32
    %mul3A_0 = arith.muli %arg1, %mul3A : i32
    %add3A = arith.addi %mul3A_0, %arg0 : i32
    %broadcast_in_dim3A = arith.constant 0 : i32
    %broadcast_in_dim3A_1 = vector.broadcast %broadcast_in_dim3A : i32 to vector<16xi32>
    %iota3A = tpu.iota {dimensions = array<i32: 0>} : vector<16xi32>
    %broadcast_in_dim3A_2 = arith.constant 1 : i32
    %broadcast_in_dim3A_3 = vector.broadcast %broadcast_in_dim3A_2 : i32 to vector<16xi32>
    "tpu.region"() ({
      %run_scoped3A = tpu.sem_alloc : memref<!tpu.dma_semaphore, #tpu.memory_space<semaphore_mem>>
      %dma_start3A = arith.constant 0 : i32
      %dma_start3A_154 = tpu.memref_slice %arg2[%add3A, %dma_start3A] : memref<64x8192xi32, #tpu.memory_space<hbm>> -> memref<1x8192xi32, #tpu.memory_space<hbm>>
      %dma_start3A_155 = tpu.memref_squeeze %dma_start3A_154 : memref<1x8192xi32, #tpu.memory_space<hbm>> -> memref<8192xi32, #tpu.memory_space<hbm>>
      %dma_start3A_156 = arith.constant 0 : i32
      %dma_start3A_157 = tpu.memref_slice %arg2[%add3A, %dma_start3A_156] : memref<64x8192xi32, #tpu.memory_space<hbm>> -> memref<1x8192xi32, #tpu.memory_space<hbm>>
      %dma_start3A_158 = tpu.memref_squeeze %dma_start3A_157 : memref<1x8192xi32, #tpu.memory_space<hbm>> -> memref<8192xi32, #tpu.memory_space<hbm>>
      tpu.enqueue_dma source(%dma_start3A_158 : memref<8192xi32, #tpu.memory_space<hbm>>) target(%arg6 : memref<8192xi32, #tpu.memory_space<vmem>>) target_semaphore(%run_scoped3A : memref<!tpu.dma_semaphore, #tpu.memory_space<semaphore_mem>>)
      %dma_wait3A = arith.constant 0 : i32
      %dma_wait3A_159 = tpu.memref_slice %arg2[%add3A, %dma_wait3A] : memref<64x8192xi32, #tpu.memory_space<hbm>> -> memref<1x8192xi32, #tpu.memory_space<hbm>>
      %dma_wait3A_160 = tpu.memref_squeeze %dma_wait3A_159 : memref<1x8192xi32, #tpu.memory_space<hbm>> -> memref<8192xi32, #tpu.memory_space<hbm>>
      %dma_wait3A_161 = arith.constant 0 : i32
      %dma_wait3A_162 = tpu.memref_slice %arg2[%add3A, %dma_wait3A_161] : memref<64x8192xi32, #tpu.memory_space<hbm>> -> memref<1x8192xi32, #tpu.memory_space<hbm>>
      %dma_wait3A_163 = tpu.memref_squeeze %dma_wait3A_162 : memref<1x8192xi32, #tpu.memory_space<hbm>> -> memref<8192xi32, #tpu.memory_space<hbm>>
      tpu.wait_dma2 semaphore(%run_scoped3A : memref<!tpu.dma_semaphore, #tpu.memory_space<semaphore_mem>>) src(%dma_wait3A_163 : memref<8192xi32, #tpu.memory_space<hbm>>) dst(%arg6 : memref<8192xi32, #tpu.memory_space<vmem>>)
      tpu.yield
    }) : () -> ()
    "tpu.region"() ({
      %run_scoped3A = tpu.sem_alloc : memref<!tpu.dma_semaphore, #tpu.memory_space<semaphore_mem>>
      %dma_start3A = arith.constant 0 : i32
      %dma_start3A_154 = tpu.memref_slice %arg3[%add3A, %dma_start3A] : memref<64x8192xi32, #tpu.memory_space<hbm>> -> memref<1x8192xi32, #tpu.memory_space<hbm>>
      %dma_start3A_155 = tpu.memref_squeeze %dma_start3A_154 : memref<1x8192xi32, #tpu.memory_space<hbm>> -> memref<8192xi32, #tpu.memory_space<hbm>>
      %dma_start3A_156 = arith.constant 0 : i32
      %dma_start3A_157 = tpu.memref_slice %arg3[%add3A, %dma_start3A_156] : memref<64x8192xi32, #tpu.memory_space<hbm>> -> memref<1x8192xi32, #tpu.memory_space<hbm>>
      %dma_start3A_158 = tpu.memref_squeeze %dma_start3A_157 : memref<1x8192xi32, #tpu.memory_space<hbm>> -> memref<8192xi32, #tpu.memory_space<hbm>>
      tpu.enqueue_dma source(%dma_start3A_158 : memref<8192xi32, #tpu.memory_space<hbm>>) target(%arg7 : memref<8192xi32, #tpu.memory_space<vmem>>) target_semaphore(%run_scoped3A : memref<!tpu.dma_semaphore, #tpu.memory_space<semaphore_mem>>)
      %dma_wait3A = arith.constant 0 : i32
      %dma_wait3A_159 = tpu.memref_slice %arg3[%add3A, %dma_wait3A] : memref<64x8192xi32, #tpu.memory_space<hbm>> -> memref<1x8192xi32, #tpu.memory_space<hbm>>
      %dma_wait3A_160 = tpu.memref_squeeze %dma_wait3A_159 : memref<1x8192xi32, #tpu.memory_space<hbm>> -> memref<8192xi32, #tpu.memory_space<hbm>>
      %dma_wait3A_161 = arith.constant 0 : i32
      %dma_wait3A_162 = tpu.memref_slice %arg3[%add3A, %dma_wait3A_161] : memref<64x8192xi32, #tpu.memory_space<hbm>> -> memref<1x8192xi32, #tpu.memory_space<hbm>>
      %dma_wait3A_163 = tpu.memref_squeeze %dma_wait3A_162 : memref<1x8192xi32, #tpu.memory_space<hbm>> -> memref<8192xi32, #tpu.memory_space<hbm>>
      tpu.wait_dma2 semaphore(%run_scoped3A : memref<!tpu.dma_semaphore, #tpu.memory_space<semaphore_mem>>) src(%dma_wait3A_163 : memref<8192xi32, #tpu.memory_space<hbm>>) dst(%arg7 : memref<8192xi32, #tpu.memory_space<vmem>>)
      tpu.yield
    }) : () -> ()
    "tpu.region"() ({
      %run_scoped3A = tpu.sem_alloc : memref<!tpu.dma_semaphore, #tpu.memory_space<semaphore_mem>>
      %dma_start3A = arith.constant 0 : i32
      %dma_start3A_154 = tpu.memref_slice %arg4[%add3A, %dma_start3A] : memref<64x8192xi32, #tpu.memory_space<hbm>> -> memref<1x8192xi32, #tpu.memory_space<hbm>>
      %dma_start3A_155 = tpu.memref_squeeze %dma_start3A_154 : memref<1x8192xi32, #tpu.memory_space<hbm>> -> memref<8192xi32, #tpu.memory_space<hbm>>
      %dma_start3A_156 = arith.constant 0 : i32
      %dma_start3A_157 = tpu.memref_slice %arg4[%add3A, %dma_start3A_156] : memref<64x8192xi32, #tpu.memory_space<hbm>> -> memref<1x8192xi32, #tpu.memory_space<hbm>>
      %dma_start3A_158 = tpu.memref_squeeze %dma_start3A_157 : memref<1x8192xi32, #tpu.memory_space<hbm>> -> memref<8192xi32, #tpu.memory_space<hbm>>
      tpu.enqueue_dma source(%dma_start3A_158 : memref<8192xi32, #tpu.memory_space<hbm>>) target(%arg8 : memref<8192xi32, #tpu.memory_space<vmem>>) target_semaphore(%run_scoped3A : memref<!tpu.dma_semaphore, #tpu.memory_space<semaphore_mem>>)
      %dma_wait3A = arith.constant 0 : i32
      %dma_wait3A_159 = tpu.memref_slice %arg4[%add3A, %dma_wait3A] : memref<64x8192xi32, #tpu.memory_space<hbm>> -> memref<1x8192xi32, #tpu.memory_space<hbm>>
      %dma_wait3A_160 = tpu.memref_squeeze %dma_wait3A_159 : memref<1x8192xi32, #tpu.memory_space<hbm>> -> memref<8192xi32, #tpu.memory_space<hbm>>
      %dma_wait3A_161 = arith.constant 0 : i32
      %dma_wait3A_162 = tpu.memref_slice %arg4[%add3A, %dma_wait3A_161] : memref<64x8192xi32, #tpu.memory_space<hbm>> -> memref<1x8192xi32, #tpu.memory_space<hbm>>
      %dma_wait3A_163 = tpu.memref_squeeze %dma_wait3A_162 : memref<1x8192xi32, #tpu.memory_space<hbm>> -> memref<8192xi32, #tpu.memory_space<hbm>>
      tpu.wait_dma2 semaphore(%run_scoped3A : memref<!tpu.dma_semaphore, #tpu.memory_space<semaphore_mem>>) src(%dma_wait3A_163 : memref<8192xi32, #tpu.memory_space<hbm>>) dst(%arg8 : memref<8192xi32, #tpu.memory_space<vmem>>)
      tpu.yield
    }) : () -> ()
    %parallel_loop3A = arith.constant 0 : i32
    %parallel_loop3A_4 = arith.constant 512 : i32
    %parallel_loop3A_5 = arith.constant 1 : i32
    %parallel_loop3A_6 = scf.for %parallel_loop3A_154 = %parallel_loop3A to %parallel_loop3A_4 step %parallel_loop3A_5 iter_args(%parallel_loop3A_155 = %broadcast_in_dim3A_1) -> (vector<16xi32>)  : i32 {
      %parallel_loop3A_156 = arith.constant 16 : i32
      %parallel_loop3A_157 = arith.muli %parallel_loop3A_154, %parallel_loop3A_156 : i32
      %parallel_loop3A_158 = arith.index_cast %parallel_loop3A_157 : i32 to index
      %parallel_loop3A_159 = tpu.vector_load %arg6[%parallel_loop3A_158] {strides = array<i32>} : memref<8192xi32, #tpu.memory_space<vmem>>, vector<16xi32>,
      %parallel_loop3A_160 = arith.constant 0 : i32
      %parallel_loop3A_161 = vector.broadcast %parallel_loop3A_160 : i32 to vector<16xi32>
      %parallel_loop3A_162 = arith.cmpi sgt, %parallel_loop3A_159, %parallel_loop3A_161 : vector<16xi32>
      %parallel_loop3A_163 = tpu.all_reduce %parallel_loop3A_162 {dim = 0 : i64, kind = #tpu.reduction_kind<sum>} : vector<16xi1> -> vector<16xi32>
      %parallel_loop3A_164 = arith.addi %parallel_loop3A_155, %parallel_loop3A_163 : vector<16xi32>
      scf.yield %parallel_loop3A_164 : vector<16xi32>
    } {sc.loop_unroll_factor = 4 : i64, sc.parallel_access}
    %reduce_max3A = arith.constant true
    %reduce_max3A_7 = vector.broadcast %reduce_max3A : i1 to vector<16xi1>
    %reduce_max3A_8 = arith.constant -2147483648 : i32
    %reduce_max3A_9 = vector.broadcast %reduce_max3A_8 : i32 to vector<16xi32>
    %reduce_max3A_10 = arith.xori %parallel_loop3A_6, %reduce_max3A_9 : vector<16xi32>
    %reduce_max3A_11 = tpu.scan <max>, %reduce_max3A_10 masked %reduce_max3A_7 : vector<16xi32>, vector<16xi1> -> vector<16xi32>
    %reduce_max3A_12 = arith.xori %reduce_max3A_11, %reduce_max3A_9 : vector<16xi32>
    %reduce_max3A_13 = vector.extract %reduce_max3A_12[15] : i32 from vector<16xi32>
    %jit3A = arith.constant 10 : i32
    %div3A = vector.broadcast %jit3A : i32 to vector<16xi32>
    %div3A_14 = arith.divsi %parallel_loop3A_6, %div3A : vector<16xi32>
    %sign3A = arith.constant 0 : i32
    %sign3A_15 = vector.broadcast %sign3A : i32 to vector<16xi32>
    %sign3A_16 = arith.cmpi sgt, %parallel_loop3A_6, %sign3A_15 : vector<16xi32>
    %sign3A_17 = arith.extui %sign3A_16 : vector<16xi1> to vector<16xi32>
    %sign3A_18 = arith.constant 0 : i32
    %sign3A_19 = vector.broadcast %sign3A_18 : i32 to vector<16xi32>
    %sign3A_20 = arith.cmpi slt, %parallel_loop3A_6, %sign3A_19 : vector<16xi32>
    %sign3A_21 = arith.extui %sign3A_20 : vector<16xi1> to vector<16xi32>
    %sign3A_22 = arith.subi %sign3A_17, %sign3A_21 : vector<16xi32>
    %sign3A_23 = arith.constant 0 : i32
    %sign3A_24 = arith.cmpi sgt, %jit3A, %sign3A_23 : i32
    %sign3A_25 = arith.extui %sign3A_24 : i1 to i32
    %sign3A_26 = arith.constant 0 : i32
    %sign3A_27 = arith.cmpi slt, %jit3A, %sign3A_26 : i32
    %sign3A_28 = arith.extui %sign3A_27 : i1 to i32
    %sign3A_29 = arith.subi %sign3A_25, %sign3A_28 : i32
    %ne3A = vector.broadcast %sign3A_29 : i32 to vector<16xi32>
    %ne3A_30 = arith.cmpi ne, %sign3A_22, %ne3A : vector<16xi32>
    %rem3A = vector.broadcast %jit3A : i32 to vector<16xi32>
    %rem3A_31 = arith.remsi %parallel_loop3A_6, %rem3A : vector<16xi32>
    %ne3A_32 = arith.constant 0 : i32
    %ne3A_33 = vector.broadcast %ne3A_32 : i32 to vector<16xi32>
    %ne3A_34 = arith.cmpi ne, %rem3A_31, %ne3A_33 : vector<16xi32>
    %and3A = arith.andi %ne3A_30, %ne3A_34 : vector<16xi1>
    %sub3A = arith.constant 1 : i32
    %sub3A_35 = vector.broadcast %sub3A : i32 to vector<16xi32>
    %sub3A_36 = arith.subi %div3A_14, %sub3A_35 : vector<16xi32>
    %select_n3A = arith.select %and3A, %sub3A_36, %div3A_14 : vector<16xi1>, vector<16xi32>
    %jit3A_37 = arith.constant 10 : i32
    %div3A_38 = arith.divsi %reduce_max3A_13, %jit3A_37 : i32
    %sign3A_39 = arith.constant 0 : i32
    %sign3A_40 = arith.cmpi sgt, %reduce_max3A_13, %sign3A_39 : i32
    %sign3A_41 = arith.extui %sign3A_40 : i1 to i32
    %sign3A_42 = arith.constant 0 : i32
    %sign3A_43 = arith.cmpi slt, %reduce_max3A_13, %sign3A_42 : i32
    %sign3A_44 = arith.extui %sign3A_43 : i1 to i32
    %sign3A_45 = arith.subi %sign3A_41, %sign3A_44 : i32
    %sign3A_46 = arith.constant 0 : i32
    %sign3A_47 = arith.cmpi sgt, %jit3A_37, %sign3A_46 : i32
    %sign3A_48 = arith.extui %sign3A_47 : i1 to i32
    %sign3A_49 = arith.constant 0 : i32
    %sign3A_50 = arith.cmpi slt, %jit3A_37, %sign3A_49 : i32
    %sign3A_51 = arith.extui %sign3A_50 : i1 to i32
    %sign3A_52 = arith.subi %sign3A_48, %sign3A_51 : i32
    %ne3A_53 = arith.cmpi ne, %sign3A_45, %sign3A_52 : i32
    %rem3A_54 = arith.remsi %reduce_max3A_13, %jit3A_37 : i32
    %ne3A_55 = arith.constant 0 : i32
    %ne3A_56 = arith.cmpi ne, %rem3A_54, %ne3A_55 : i32
    %and3A_57 = arith.andi %ne3A_53, %ne3A_56 : i1
    %sub3A_58 = arith.constant 1 : i32
    %sub3A_59 = arith.subi %div3A_38, %sub3A_58 : i32
    %select_n3A_60 = arith.select %and3A_57, %sub3A_59, %div3A_38 : i32
    %parallel_loop3A_61 = arith.constant 0 : i32
    %parallel_loop3A_62 = arith.constant 512 : i32
    %parallel_loop3A_63 = arith.constant 1 : i32
    %parallel_loop3A_64:2 = scf.for %parallel_loop3A_154 = %parallel_loop3A_61 to %parallel_loop3A_62 step %parallel_loop3A_63 iter_args(%parallel_loop3A_155 = %broadcast_in_dim3A_1, %parallel_loop3A_156 = %broadcast_in_dim3A_1) -> (vector<16xi32>, vector<16xi32>)  : i32 {
      %parallel_loop3A_157 = arith.constant 16 : i32
      %parallel_loop3A_158 = arith.muli %parallel_loop3A_154, %parallel_loop3A_157 : i32
      %parallel_loop3A_159 = arith.index_cast %parallel_loop3A_158 : i32 to index
      %parallel_loop3A_160 = tpu.vector_load %arg7[%parallel_loop3A_159] {strides = array<i32>} : memref<8192xi32, #tpu.memory_space<vmem>>, vector<16xi32>,
      %parallel_loop3A_161 = arith.index_cast %parallel_loop3A_158 : i32 to index
      %parallel_loop3A_162 = tpu.vector_load %arg8[%parallel_loop3A_161] {strides = array<i32>} : memref<8192xi32, #tpu.memory_space<vmem>>, vector<16xi32>,
      %parallel_loop3A_163 = arith.cmpi slt, %parallel_loop3A_160, %parallel_loop3A_6 : vector<16xi32>
      %parallel_loop3A_164 = arith.cmpi slt, %parallel_loop3A_162, %parallel_loop3A_6 : vector<16xi32>
      %parallel_loop3A_165 = arith.select %parallel_loop3A_163, %broadcast_in_dim3A_3, %broadcast_in_dim3A_1 : vector<16xi1>, vector<16xi32>
      %parallel_loop3A_166 = arith.select %parallel_loop3A_164, %broadcast_in_dim3A_3, %broadcast_in_dim3A_1 : vector<16xi1>, vector<16xi32>
      %parallel_loop3A_167 = arith.constant true
      %parallel_loop3A_168 = vector.broadcast %parallel_loop3A_167 : i1 to vector<16xi1>
      %parallel_loop3A_169 = tpu.scan <sum>, %parallel_loop3A_165 masked %parallel_loop3A_168 : vector<16xi32>, vector<16xi1> -> vector<16xi32>
      %parallel_loop3A_170 = arith.constant true
      %parallel_loop3A_171 = vector.broadcast %parallel_loop3A_170 : i1 to vector<16xi1>
      %parallel_loop3A_172 = tpu.scan <sum>, %parallel_loop3A_166 masked %parallel_loop3A_171 : vector<16xi32>, vector<16xi1> -> vector<16xi32>
      %parallel_loop3A_173 = arith.addi %parallel_loop3A_155, %parallel_loop3A_169 : vector<16xi32>
      %parallel_loop3A_174 = arith.subi %parallel_loop3A_173, %parallel_loop3A_165 : vector<16xi32>
      tpu.vector_store_idx %arg9[%parallel_loop3A_174], %parallel_loop3A_160 masked %parallel_loop3A_163 : memref<8208xi32, #tpu.memory_space<vmem>>[vector<16xi32>], vector<16xi32>, vector<16xi1>
      %parallel_loop3A_175 = arith.addi %parallel_loop3A_156, %parallel_loop3A_172 : vector<16xi32>
      %parallel_loop3A_176 = arith.subi %parallel_loop3A_175, %parallel_loop3A_166 : vector<16xi32>
      tpu.vector_store_idx %arg10[%parallel_loop3A_176], %parallel_loop3A_162 masked %parallel_loop3A_164 : memref<8208xi32, #tpu.memory_space<vmem>>[vector<16xi32>], vector<16xi32>, vector<16xi1>
      %parallel_loop3A_177 = tpu.all_reduce %parallel_loop3A_163 {dim = 0 : i64, kind = #tpu.reduction_kind<sum>} : vector<16xi1> -> vector<16xi32>
      %parallel_loop3A_178 = arith.addi %parallel_loop3A_155, %parallel_loop3A_177 : vector<16xi32>
      %parallel_loop3A_179 = tpu.all_reduce %parallel_loop3A_164 {dim = 0 : i64, kind = #tpu.reduction_kind<sum>} : vector<16xi1> -> vector<16xi32>
      %parallel_loop3A_180 = arith.addi %parallel_loop3A_156, %parallel_loop3A_179 : vector<16xi32>
      scf.yield %parallel_loop3A_178, %parallel_loop3A_180 : vector<16xi32>, vector<16xi32>
    } {sc.loop_unroll_factor = 4 : i64, sc.parallel_access}
    %gt3A = arith.constant 0 : i32
    %gt3A_65 = arith.cmpi sgt, %select_n3A_60, %gt3A : i32
    %convert_element_type3A = arith.extui %gt3A_65 : i1 to i32
    %cond3A = arith.constant 0 : i32
    %cond3A_66 = arith.cmpi ne, %convert_element_type3A, %cond3A : i32
    scf.if %cond3A_66 {
      %gt3A_154 = arith.constant 1625 : i32
      %gt3A_155 = vector.broadcast %gt3A_154 : i32 to vector<16xi32>
      %gt3A_156 = arith.cmpi sgt, %parallel_loop3A_6, %gt3A_155 : vector<16xi32>
      %add3A_157 = arith.constant 15 : i32
      %add3A_158 = arith.addi %select_n3A_60, %add3A_157 : i32
      %jit3A_159 = arith.constant 16 : i32
      %div3A_160 = arith.divsi %add3A_158, %jit3A_159 : i32
      %sign3A_161 = arith.constant 0 : i32
      %sign3A_162 = arith.cmpi sgt, %add3A_158, %sign3A_161 : i32
      %sign3A_163 = arith.extui %sign3A_162 : i1 to i32
      %sign3A_164 = arith.constant 0 : i32
      %sign3A_165 = arith.cmpi slt, %add3A_158, %sign3A_164 : i32
      %sign3A_166 = arith.extui %sign3A_165 : i1 to i32
      %sign3A_167 = arith.subi %sign3A_163, %sign3A_166 : i32
      %sign3A_168 = arith.constant 0 : i32
      %sign3A_169 = arith.cmpi sgt, %jit3A_159, %sign3A_168 : i32
      %sign3A_170 = arith.extui %sign3A_169 : i1 to i32
      %sign3A_171 = arith.constant 0 : i32
      %sign3A_172 = arith.cmpi slt, %jit3A_159, %sign3A_171 : i32
      %sign3A_173 = arith.extui %sign3A_172 : i1 to i32
      %sign3A_174 = arith.subi %sign3A_170, %sign3A_173 : i32
      %ne3A_175 = arith.cmpi ne, %sign3A_167, %sign3A_174 : i32
      %rem3A_176 = arith.remsi %add3A_158, %jit3A_159 : i32
      %ne3A_177 = arith.constant 0 : i32
      %ne3A_178 = arith.cmpi ne, %rem3A_176, %ne3A_177 : i32
      %and3A_179 = arith.andi %ne3A_175, %ne3A_178 : i1
      %sub3A_180 = arith.constant 1 : i32
      %sub3A_181 = arith.subi %div3A_160, %sub3A_180 : i32
      %select_n3A_182 = arith.select %and3A_179, %sub3A_181, %div3A_160 : i32
      %parallel_loop3A_183 = arith.constant 0 : i32
      %parallel_loop3A_184 = arith.constant 1 : i32
      scf.for %parallel_loop3A_226 = %parallel_loop3A_183 to %select_n3A_182 step %parallel_loop3A_184  : i32 {
        %parallel_loop3A_227 = arith.constant 16 : i32
        %parallel_loop3A_228 = arith.muli %parallel_loop3A_226, %parallel_loop3A_227 : i32
        %parallel_loop3A_229 = vector.broadcast %parallel_loop3A_228 : i32 to vector<16xi32>
        %parallel_loop3A_230 = arith.addi %iota3A, %parallel_loop3A_229 : vector<16xi32>
        %parallel_loop3A_231 = arith.cmpi slt, %parallel_loop3A_230, %select_n3A : vector<16xi32>
        %parallel_loop3A_232 = arith.constant 16 : i32
        %parallel_loop3A_233 = arith.muli %parallel_loop3A_226, %parallel_loop3A_232 : i32
        %parallel_loop3A_234 = arith.index_cast %parallel_loop3A_233 : i32 to index
        %parallel_loop3A_235 = tpu.vector_load %arg10[%parallel_loop3A_234] {strides = array<i32>} : memref<8208xi32, #tpu.memory_space<vmem>>, vector<16xi32>,
        %parallel_loop3A_236 = arith.select %gt3A_156, %parallel_loop3A_235, %parallel_loop3A_230 : vector<16xi1>, vector<16xi32>
        %parallel_loop3A_237 = arith.select %parallel_loop3A_231, %parallel_loop3A_236, %broadcast_in_dim3A_1 : vector<16xi1>, vector<16xi32>
        %parallel_loop3A_238 = tpu.vector_load_idx %arg9[%parallel_loop3A_237] : memref<8208xi32, #tpu.memory_space<vmem>>[vector<16xi32>], vector<16xi32>,
        %parallel_loop3A_239 = arith.select %parallel_loop3A_231, %parallel_loop3A_238, %broadcast_in_dim3A_1 : vector<16xi1>, vector<16xi32>
        tpu.vector_store_idx %arg6[%parallel_loop3A_239], %broadcast_in_dim3A_1 masked %parallel_loop3A_231 : memref<8192xi32, #tpu.memory_space<vmem>>[vector<16xi32>], vector<16xi32>, vector<16xi1>
      } {sc.loop_unroll_factor = 4 : i64, sc.parallel_access}
      %parallel_loop3A_185 = arith.constant 0 : i32
      %parallel_loop3A_186 = arith.constant 512 : i32
      %parallel_loop3A_187 = arith.constant 1 : i32
      %parallel_loop3A_188 = scf.for %parallel_loop3A_226 = %parallel_loop3A_185 to %parallel_loop3A_186 step %parallel_loop3A_187 iter_args(%parallel_loop3A_227 = %broadcast_in_dim3A_1) -> (vector<16xi32>)  : i32 {
        %parallel_loop3A_228 = arith.constant 16 : i32
        %parallel_loop3A_229 = arith.muli %parallel_loop3A_226, %parallel_loop3A_228 : i32
        %parallel_loop3A_230 = arith.index_cast %parallel_loop3A_229 : i32 to index
        %parallel_loop3A_231 = tpu.vector_load %arg6[%parallel_loop3A_230] {strides = array<i32>} : memref<8192xi32, #tpu.memory_space<vmem>>, vector<16xi32>,
        %parallel_loop3A_232 = arith.constant 0 : i32
        %parallel_loop3A_233 = vector.broadcast %parallel_loop3A_232 : i32 to vector<16xi32>
        %parallel_loop3A_234 = arith.cmpi sgt, %parallel_loop3A_231, %parallel_loop3A_233 : vector<16xi32>
        %parallel_loop3A_235 = arith.select %parallel_loop3A_234, %broadcast_in_dim3A_3, %broadcast_in_dim3A_1 : vector<16xi1>, vector<16xi32>
        %parallel_loop3A_236 = arith.constant true
        %parallel_loop3A_237 = vector.broadcast %parallel_loop3A_236 : i1 to vector<16xi1>
        %parallel_loop3A_238 = tpu.scan <sum>, %parallel_loop3A_235 masked %parallel_loop3A_237 : vector<16xi32>, vector<16xi1> -> vector<16xi32>
        %parallel_loop3A_239 = arith.addi %parallel_loop3A_227, %parallel_loop3A_238 : vector<16xi32>
        %parallel_loop3A_240 = arith.subi %parallel_loop3A_239, %parallel_loop3A_235 : vector<16xi32>
        tpu.vector_store_idx %arg11[%parallel_loop3A_240], %parallel_loop3A_231 masked %parallel_loop3A_234 : memref<8208xi32, #tpu.memory_space<vmem>>[vector<16xi32>], vector<16xi32>, vector<16xi1>
        %parallel_loop3A_241 = tpu.all_reduce %parallel_loop3A_234 {dim = 0 : i64, kind = #tpu.reduction_kind<sum>} : vector<16xi1> -> vector<16xi32>
        %parallel_loop3A_242 = arith.addi %parallel_loop3A_227, %parallel_loop3A_241 : vector<16xi32>
        scf.yield %parallel_loop3A_242 : vector<16xi32>
      } {sc.loop_unroll_factor = 4 : i64, sc.parallel_access}
      %reduce_max3A_189 = arith.constant true
      %reduce_max3A_190 = vector.broadcast %reduce_max3A_189 : i1 to vector<16xi1>
      %reduce_max3A_191 = arith.constant -2147483648 : i32
      %reduce_max3A_192 = vector.broadcast %reduce_max3A_191 : i32 to vector<16xi32>
      %reduce_max3A_193 = arith.xori %parallel_loop3A_188, %reduce_max3A_192 : vector<16xi32>
      %reduce_max3A_194 = tpu.scan <max>, %reduce_max3A_193 masked %reduce_max3A_190 : vector<16xi32>, vector<16xi1> -> vector<16xi32>
      %reduce_max3A_195 = arith.xori %reduce_max3A_194, %reduce_max3A_192 : vector<16xi32>
      %reduce_max3A_196 = vector.extract %reduce_max3A_195[15] : i32 from vector<16xi32>
      %add3A_197 = arith.addi %parallel_loop3A_188, %iota3A : vector<16xi32>
      tpu.vector_store_idx %arg11[%add3A_197], %broadcast_in_dim3A_1 : memref<8208xi32, #tpu.memory_space<vmem>>[vector<16xi32>], vector<16xi32>,
      %add3A_198 = arith.constant 15 : i32
      %add3A_199 = arith.addi %reduce_max3A_196, %add3A_198 : i32
      %jit3A_200 = arith.constant 16 : i32
      %div3A_201 = arith.divsi %add3A_199, %jit3A_200 : i32
      %sign3A_202 = arith.constant 0 : i32
      %sign3A_203 = arith.cmpi sgt, %add3A_199, %sign3A_202 : i32
      %sign3A_204 = arith.extui %sign3A_203 : i1 to i32
      %sign3A_205 = arith.constant 0 : i32
      %sign3A_206 = arith.cmpi slt, %add3A_199, %sign3A_205 : i32
      %sign3A_207 = arith.extui %sign3A_206 : i1 to i32
      %sign3A_208 = arith.subi %sign3A_204, %sign3A_207 : i32
      %sign3A_209 = arith.constant 0 : i32
      %sign3A_210 = arith.cmpi sgt, %jit3A_200, %sign3A_209 : i32
      %sign3A_211 = arith.extui %sign3A_210 : i1 to i32
      %sign3A_212 = arith.constant 0 : i32
      %sign3A_213 = arith.cmpi slt, %jit3A_200, %sign3A_212 : i32
      %sign3A_214 = arith.extui %sign3A_213 : i1 to i32
      %sign3A_215 = arith.subi %sign3A_211, %sign3A_214 : i32
      %ne3A_216 = arith.cmpi ne, %sign3A_208, %sign3A_215 : i32
      %rem3A_217 = arith.remsi %add3A_199, %jit3A_200 : i32
      %ne3A_218 = arith.constant 0 : i32
      %ne3A_219 = arith.cmpi ne, %rem3A_217, %ne3A_218 : i32
      %and3A_220 = arith.andi %ne3A_216, %ne3A_219 : i1
      %sub3A_221 = arith.constant 1 : i32
      %sub3A_222 = arith.subi %div3A_201, %sub3A_221 : i32
      %select_n3A_223 = arith.select %and3A_220, %sub3A_222, %div3A_201 : i32
      %parallel_loop3A_224 = arith.constant 512 : i32
      %parallel_loop3A_225 = arith.constant 1 : i32
      scf.for %parallel_loop3A_226 = %select_n3A_223 to %parallel_loop3A_224 step %parallel_loop3A_225  : i32 {
        %parallel_loop3A_227 = arith.constant 16 : i32
        %parallel_loop3A_228 = arith.muli %parallel_loop3A_226, %parallel_loop3A_227 : i32
        %parallel_loop3A_229 = arith.index_cast %parallel_loop3A_228 : i32 to index
        %parallel_loop3A_230 = tpu.vector_load %arg11[%parallel_loop3A_229] {strides = array<i32>} : memref<8208xi32, #tpu.memory_space<vmem>>, vector<16xi32>,
        tpu.vector_store %arg11[%parallel_loop3A_229], %broadcast_in_dim3A_1 {strides = array<i32>} : memref<8208xi32, #tpu.memory_space<vmem>>, vector<16xi32>,
      } {sc.loop_unroll_factor = 4 : i64, sc.parallel_access}
      "tpu.region"() ({
        %run_scoped3A = tpu.sem_alloc : memref<!tpu.dma_semaphore, #tpu.memory_space<semaphore_mem>>
        %dma_start3A = arith.constant 0 : i32
        %dma_start3A_226 = tpu.memref_slice %arg11[%dma_start3A] : memref<8208xi32, #tpu.memory_space<vmem>> -> memref<8192xi32, #tpu.memory_space<vmem>>
        %dma_start3A_227 = arith.constant 0 : i32
        %dma_start3A_228 = tpu.memref_slice %arg5[%add3A, %dma_start3A_227] : memref<64x8192xi32, #tpu.memory_space<hbm>> -> memref<1x8192xi32, #tpu.memory_space<hbm>>
        %dma_start3A_229 = tpu.memref_squeeze %dma_start3A_228 : memref<1x8192xi32, #tpu.memory_space<hbm>> -> memref<8192xi32, #tpu.memory_space<hbm>>
        %dma_start3A_230 = arith.constant 0 : i32
        %dma_start3A_231 = tpu.memref_slice %arg5[%add3A, %dma_start3A_230] : memref<64x8192xi32, #tpu.memory_space<hbm>> -> memref<1x8192xi32, #tpu.memory_space<hbm>>
        %dma_start3A_232 = tpu.memref_squeeze %dma_start3A_231 : memref<1x8192xi32, #tpu.memory_space<hbm>> -> memref<8192xi32, #tpu.memory_space<hbm>>
        %dma_start3A_233 = arith.constant 0 : i32
        %dma_start3A_234 = tpu.memref_slice %arg11[%dma_start3A_233] : memref<8208xi32, #tpu.memory_space<vmem>> -> memref<8192xi32, #tpu.memory_space<vmem>>
        tpu.enqueue_dma source(%dma_start3A_234 : memref<8192xi32, #tpu.memory_space<vmem>>) target(%dma_start3A_232 : memref<8192xi32, #tpu.memory_space<hbm>>) target_semaphore(%run_scoped3A : memref<!tpu.dma_semaphore, #tpu.memory_space<semaphore_mem>>)
        %dma_wait3A = arith.constant 0 : i32
        %dma_wait3A_235 = tpu.memref_slice %arg11[%dma_wait3A] : memref<8208xi32, #tpu.memory_space<vmem>> -> memref<8192xi32, #tpu.memory_space<vmem>>
        %dma_wait3A_236 = arith.constant 0 : i32
        %dma_wait3A_237 = tpu.memref_slice %arg5[%add3A, %dma_wait3A_236] : memref<64x8192xi32, #tpu.memory_space<hbm>> -> memref<1x8192xi32, #tpu.memory_space<hbm>>
        %dma_wait3A_238 = tpu.memref_squeeze %dma_wait3A_237 : memref<1x8192xi32, #tpu.memory_space<hbm>> -> memref<8192xi32, #tpu.memory_space<hbm>>
        %dma_wait3A_239 = arith.constant 0 : i32
        %dma_wait3A_240 = tpu.memref_slice %arg5[%add3A, %dma_wait3A_239] : memref<64x8192xi32, #tpu.memory_space<hbm>> -> memref<1x8192xi32, #tpu.memory_space<hbm>>
        %dma_wait3A_241 = tpu.memref_squeeze %dma_wait3A_240 : memref<1x8192xi32, #tpu.memory_space<hbm>> -> memref<8192xi32, #tpu.memory_space<hbm>>
        %dma_wait3A_242 = arith.constant 0 : i32
        %dma_wait3A_243 = tpu.memref_slice %arg11[%dma_wait3A_242] : memref<8208xi32, #tpu.memory_space<vmem>> -> memref<8192xi32, #tpu.memory_space<vmem>>
        tpu.wait_dma2 semaphore(%run_scoped3A : memref<!tpu.dma_semaphore, #tpu.memory_space<semaphore_mem>>) src(%dma_wait3A_243 : memref<8192xi32, #tpu.memory_space<vmem>>) dst(%dma_wait3A_241 : memref<8192xi32, #tpu.memory_space<hbm>>)
        tpu.yield
      }) : () -> ()
    } else {
    }
    %eq3A = arith.constant 0 : i32
    %eq3A_67 = arith.cmpi eq, %select_n3A_60, %eq3A : i32
    %convert_element_type3A_68 = arith.extui %eq3A_67 : i1 to i32
    %cond3A_69 = arith.constant 0 : i32
    %cond3A_70 = arith.cmpi ne, %convert_element_type3A_68, %cond3A_69 : i32
    scf.if %cond3A_70 {
      "tpu.region"() ({
        %run_scoped3A = tpu.sem_alloc : memref<!tpu.dma_semaphore, #tpu.memory_space<semaphore_mem>>
        %dma_start3A = arith.constant 0 : i32
        %dma_start3A_154 = tpu.memref_slice %arg5[%add3A, %dma_start3A] : memref<64x8192xi32, #tpu.memory_space<hbm>> -> memref<1x8192xi32, #tpu.memory_space<hbm>>
        %dma_start3A_155 = tpu.memref_squeeze %dma_start3A_154 : memref<1x8192xi32, #tpu.memory_space<hbm>> -> memref<8192xi32, #tpu.memory_space<hbm>>
        %dma_start3A_156 = arith.constant 0 : i32
        %dma_start3A_157 = tpu.memref_slice %arg5[%add3A, %dma_start3A_156] : memref<64x8192xi32, #tpu.memory_space<hbm>> -> memref<1x8192xi32, #tpu.memory_space<hbm>>
        %dma_start3A_158 = tpu.memref_squeeze %dma_start3A_157 : memref<1x8192xi32, #tpu.memory_space<hbm>> -> memref<8192xi32, #tpu.memory_space<hbm>>
        tpu.enqueue_dma source(%arg6 : memref<8192xi32, #tpu.memory_space<vmem>>) target(%dma_start3A_158 : memref<8192xi32, #tpu.memory_space<hbm>>) target_semaphore(%run_scoped3A : memref<!tpu.dma_semaphore, #tpu.memory_space<semaphore_mem>>)
        %dma_wait3A = arith.constant 0 : i32
        %dma_wait3A_159 = tpu.memref_slice %arg5[%add3A, %dma_wait3A] : memref<64x8192xi32, #tpu.memory_space<hbm>> -> memref<1x8192xi32, #tpu.memory_space<hbm>>
        %dma_wait3A_160 = tpu.memref_squeeze %dma_wait3A_159 : memref<1x8192xi32, #tpu.memory_space<hbm>> -> memref<8192xi32, #tpu.memory_space<hbm>>
        %dma_wait3A_161 = arith.constant 0 : i32
        %dma_wait3A_162 = tpu.memref_slice %arg5[%add3A, %dma_wait3A_161] : memref<64x8192xi32, #tpu.memory_space<hbm>> -> memref<1x8192xi32, #tpu.memory_space<hbm>>
        %dma_wait3A_163 = tpu.memref_squeeze %dma_wait3A_162 : memref<1x8192xi32, #tpu.memory_space<hbm>> -> memref<8192xi32, #tpu.memory_space<hbm>>
        tpu.wait_dma2 semaphore(%run_scoped3A : memref<!tpu.dma_semaphore, #tpu.memory_space<semaphore_mem>>) src(%arg6 : memref<8192xi32, #tpu.memory_space<vmem>>) dst(%dma_wait3A_163 : memref<8192xi32, #tpu.memory_space<hbm>>)
        tpu.yield
      }) : () -> ()
    } else {
    }
    %add3A_71 = arith.constant 32 : i32
    %add3A_72 = arith.addi %add3A, %add3A_71 : i32
    "tpu.region"() ({
      %run_scoped3A = tpu.sem_alloc : memref<!tpu.dma_semaphore, #tpu.memory_space<semaphore_mem>>
      %dma_start3A = arith.constant 0 : i32
      %dma_start3A_154 = tpu.memref_slice %arg2[%add3A_72, %dma_start3A] : memref<64x8192xi32, #tpu.memory_space<hbm>> -> memref<1x8192xi32, #tpu.memory_space<hbm>>
      %dma_start3A_155 = tpu.memref_squeeze %dma_start3A_154 : memref<1x8192xi32, #tpu.memory_space<hbm>> -> memref<8192xi32, #tpu.memory_space<hbm>>
      %dma_start3A_156 = arith.constant 0 : i32
      %dma_start3A_157 = tpu.memref_slice %arg2[%add3A_72, %dma_start3A_156] : memref<64x8192xi32, #tpu.memory_space<hbm>> -> memref<1x8192xi32, #tpu.memory_space<hbm>>
      %dma_start3A_158 = tpu.memref_squeeze %dma_start3A_157 : memref<1x8192xi32, #tpu.memory_space<hbm>> -> memref<8192xi32, #tpu.memory_space<hbm>>
      tpu.enqueue_dma source(%dma_start3A_158 : memref<8192xi32, #tpu.memory_space<hbm>>) target(%arg6 : memref<8192xi32, #tpu.memory_space<vmem>>) target_semaphore(%run_scoped3A : memref<!tpu.dma_semaphore, #tpu.memory_space<semaphore_mem>>)
      %dma_wait3A = arith.constant 0 : i32
      %dma_wait3A_159 = tpu.memref_slice %arg2[%add3A_72, %dma_wait3A] : memref<64x8192xi32, #tpu.memory_space<hbm>> -> memref<1x8192xi32, #tpu.memory_space<hbm>>
      %dma_wait3A_160 = tpu.memref_squeeze %dma_wait3A_159 : memref<1x8192xi32, #tpu.memory_space<hbm>> -> memref<8192xi32, #tpu.memory_space<hbm>>
      %dma_wait3A_161 = arith.constant 0 : i32
      %dma_wait3A_162 = tpu.memref_slice %arg2[%add3A_72, %dma_wait3A_161] : memref<64x8192xi32, #tpu.memory_space<hbm>> -> memref<1x8192xi32, #tpu.memory_space<hbm>>
      %dma_wait3A_163 = tpu.memref_squeeze %dma_wait3A_162 : memref<1x8192xi32, #tpu.memory_space<hbm>> -> memref<8192xi32, #tpu.memory_space<hbm>>
      tpu.wait_dma2 semaphore(%run_scoped3A : memref<!tpu.dma_semaphore, #tpu.memory_space<semaphore_mem>>) src(%dma_wait3A_163 : memref<8192xi32, #tpu.memory_space<hbm>>) dst(%arg6 : memref<8192xi32, #tpu.memory_space<vmem>>)
      tpu.yield
    }) : () -> ()
    "tpu.region"() ({
      %run_scoped3A = tpu.sem_alloc : memref<!tpu.dma_semaphore, #tpu.memory_space<semaphore_mem>>
      %dma_start3A = arith.constant 0 : i32
      %dma_start3A_154 = tpu.memref_slice %arg3[%add3A_72, %dma_start3A] : memref<64x8192xi32, #tpu.memory_space<hbm>> -> memref<1x8192xi32, #tpu.memory_space<hbm>>
      %dma_start3A_155 = tpu.memref_squeeze %dma_start3A_154 : memref<1x8192xi32, #tpu.memory_space<hbm>> -> memref<8192xi32, #tpu.memory_space<hbm>>
      %dma_start3A_156 = arith.constant 0 : i32
      %dma_start3A_157 = tpu.memref_slice %arg3[%add3A_72, %dma_start3A_156] : memref<64x8192xi32, #tpu.memory_space<hbm>> -> memref<1x8192xi32, #tpu.memory_space<hbm>>
      %dma_start3A_158 = tpu.memref_squeeze %dma_start3A_157 : memref<1x8192xi32, #tpu.memory_space<hbm>> -> memref<8192xi32, #tpu.memory_space<hbm>>
      tpu.enqueue_dma source(%dma_start3A_158 : memref<8192xi32, #tpu.memory_space<hbm>>) target(%arg7 : memref<8192xi32, #tpu.memory_space<vmem>>) target_semaphore(%run_scoped3A : memref<!tpu.dma_semaphore, #tpu.memory_space<semaphore_mem>>)
      %dma_wait3A = arith.constant 0 : i32
      %dma_wait3A_159 = tpu.memref_slice %arg3[%add3A_72, %dma_wait3A] : memref<64x8192xi32, #tpu.memory_space<hbm>> -> memref<1x8192xi32, #tpu.memory_space<hbm>>
      %dma_wait3A_160 = tpu.memref_squeeze %dma_wait3A_159 : memref<1x8192xi32, #tpu.memory_space<hbm>> -> memref<8192xi32, #tpu.memory_space<hbm>>
      %dma_wait3A_161 = arith.constant 0 : i32
      %dma_wait3A_162 = tpu.memref_slice %arg3[%add3A_72, %dma_wait3A_161] : memref<64x8192xi32, #tpu.memory_space<hbm>> -> memref<1x8192xi32, #tpu.memory_space<hbm>>
      %dma_wait3A_163 = tpu.memref_squeeze %dma_wait3A_162 : memref<1x8192xi32, #tpu.memory_space<hbm>> -> memref<8192xi32, #tpu.memory_space<hbm>>
      tpu.wait_dma2 semaphore(%run_scoped3A : memref<!tpu.dma_semaphore, #tpu.memory_space<semaphore_mem>>) src(%dma_wait3A_163 : memref<8192xi32, #tpu.memory_space<hbm>>) dst(%arg7 : memref<8192xi32, #tpu.memory_space<vmem>>)
      tpu.yield
    }) : () -> ()
    "tpu.region"() ({
      %run_scoped3A = tpu.sem_alloc : memref<!tpu.dma_semaphore, #tpu.memory_space<semaphore_mem>>
      %dma_start3A = arith.constant 0 : i32
      %dma_start3A_154 = tpu.memref_slice %arg4[%add3A_72, %dma_start3A] : memref<64x8192xi32, #tpu.memory_space<hbm>> -> memref<1x8192xi32, #tpu.memory_space<hbm>>
      %dma_start3A_155 = tpu.memref_squeeze %dma_start3A_154 : memref<1x8192xi32, #tpu.memory_space<hbm>> -> memref<8192xi32, #tpu.memory_space<hbm>>
      %dma_start3A_156 = arith.constant 0 : i32
      %dma_start3A_157 = tpu.memref_slice %arg4[%add3A_72, %dma_start3A_156] : memref<64x8192xi32, #tpu.memory_space<hbm>> -> memref<1x8192xi32, #tpu.memory_space<hbm>>
      %dma_start3A_158 = tpu.memref_squeeze %dma_start3A_157 : memref<1x8192xi32, #tpu.memory_space<hbm>> -> memref<8192xi32, #tpu.memory_space<hbm>>
      tpu.enqueue_dma source(%dma_start3A_158 : memref<8192xi32, #tpu.memory_space<hbm>>) target(%arg8 : memref<8192xi32, #tpu.memory_space<vmem>>) target_semaphore(%run_scoped3A : memref<!tpu.dma_semaphore, #tpu.memory_space<semaphore_mem>>)
      %dma_wait3A = arith.constant 0 : i32
      %dma_wait3A_159 = tpu.memref_slice %arg4[%add3A_72, %dma_wait3A] : memref<64x8192xi32, #tpu.memory_space<hbm>> -> memref<1x8192xi32, #tpu.memory_space<hbm>>
      %dma_wait3A_160 = tpu.memref_squeeze %dma_wait3A_159 : memref<1x8192xi32, #tpu.memory_space<hbm>> -> memref<8192xi32, #tpu.memory_space<hbm>>
      %dma_wait3A_161 = arith.constant 0 : i32
      %dma_wait3A_162 = tpu.memref_slice %arg4[%add3A_72, %dma_wait3A_161] : memref<64x8192xi32, #tpu.memory_space<hbm>> -> memref<1x8192xi32, #tpu.memory_space<hbm>>
      %dma_wait3A_163 = tpu.memref_squeeze %dma_wait3A_162 : memref<1x8192xi32, #tpu.memory_space<hbm>> -> memref<8192xi32, #tpu.memory_space<hbm>>
      tpu.wait_dma2 semaphore(%run_scoped3A : memref<!tpu.dma_semaphore, #tpu.memory_space<semaphore_mem>>) src(%dma_wait3A_163 : memref<8192xi32, #tpu.memory_space<hbm>>) dst(%arg8 : memref<8192xi32, #tpu.memory_space<vmem>>)
      tpu.yield
    }) : () -> ()
    %parallel_loop3A_73 = arith.constant 0 : i32
    %parallel_loop3A_74 = arith.constant 512 : i32
    %parallel_loop3A_75 = arith.constant 1 : i32
    %parallel_loop3A_76 = scf.for %parallel_loop3A_154 = %parallel_loop3A_73 to %parallel_loop3A_74 step %parallel_loop3A_75 iter_args(%parallel_loop3A_155 = %broadcast_in_dim3A_1) -> (vector<16xi32>)  : i32 {
      %parallel_loop3A_156 = arith.constant 16 : i32
      %parallel_loop3A_157 = arith.muli %parallel_loop3A_154, %parallel_loop3A_156 : i32
      %parallel_loop3A_158 = arith.index_cast %parallel_loop3A_157 : i32 to index
      %parallel_loop3A_159 = tpu.vector_load %arg6[%parallel_loop3A_158] {strides = array<i32>} : memref<8192xi32, #tpu.memory_space<vmem>>, vector<16xi32>,
      %parallel_loop3A_160 = arith.constant 0 : i32
      %parallel_loop3A_161 = vector.broadcast %parallel_loop3A_160 : i32 to vector<16xi32>
      %parallel_loop3A_162 = arith.cmpi sgt, %parallel_loop3A_159, %parallel_loop3A_161 : vector<16xi32>
      %parallel_loop3A_163 = tpu.all_reduce %parallel_loop3A_162 {dim = 0 : i64, kind = #tpu.reduction_kind<sum>} : vector<16xi1> -> vector<16xi32>
      %parallel_loop3A_164 = arith.addi %parallel_loop3A_155, %parallel_loop3A_163 : vector<16xi32>
      scf.yield %parallel_loop3A_164 : vector<16xi32>
    } {sc.loop_unroll_factor = 4 : i64, sc.parallel_access}
    %reduce_max3A_77 = arith.constant true
    %reduce_max3A_78 = vector.broadcast %reduce_max3A_77 : i1 to vector<16xi1>
    %reduce_max3A_79 = arith.constant -2147483648 : i32
    %reduce_max3A_80 = vector.broadcast %reduce_max3A_79 : i32 to vector<16xi32>
    %reduce_max3A_81 = arith.xori %parallel_loop3A_76, %reduce_max3A_80 : vector<16xi32>
    %reduce_max3A_82 = tpu.scan <max>, %reduce_max3A_81 masked %reduce_max3A_78 : vector<16xi32>, vector<16xi1> -> vector<16xi32>
    %reduce_max3A_83 = arith.xori %reduce_max3A_82, %reduce_max3A_80 : vector<16xi32>
    %reduce_max3A_84 = vector.extract %reduce_max3A_83[15] : i32 from vector<16xi32>
    %jit3A_85 = arith.constant 10 : i32
    %div3A_86 = vector.broadcast %jit3A_85 : i32 to vector<16xi32>
    %div3A_87 = arith.divsi %parallel_loop3A_76, %div3A_86 : vector<16xi32>
    %sign3A_88 = arith.constant 0 : i32
    %sign3A_89 = vector.broadcast %sign3A_88 : i32 to vector<16xi32>
    %sign3A_90 = arith.cmpi sgt, %parallel_loop3A_76, %sign3A_89 : vector<16xi32>
    %sign3A_91 = arith.extui %sign3A_90 : vector<16xi1> to vector<16xi32>
    %sign3A_92 = arith.constant 0 : i32
    %sign3A_93 = vector.broadcast %sign3A_92 : i32 to vector<16xi32>
    %sign3A_94 = arith.cmpi slt, %parallel_loop3A_76, %sign3A_93 : vector<16xi32>
    %sign3A_95 = arith.extui %sign3A_94 : vector<16xi1> to vector<16xi32>
    %sign3A_96 = arith.subi %sign3A_91, %sign3A_95 : vector<16xi32>
    %sign3A_97 = arith.constant 0 : i32
    %sign3A_98 = arith.cmpi sgt, %jit3A_85, %sign3A_97 : i32
    %sign3A_99 = arith.extui %sign3A_98 : i1 to i32
    %sign3A_100 = arith.constant 0 : i32
    %sign3A_101 = arith.cmpi slt, %jit3A_85, %sign3A_100 : i32
    %sign3A_102 = arith.extui %sign3A_101 : i1 to i32
    %sign3A_103 = arith.subi %sign3A_99, %sign3A_102 : i32
    %ne3A_104 = vector.broadcast %sign3A_103 : i32 to vector<16xi32>
    %ne3A_105 = arith.cmpi ne, %sign3A_96, %ne3A_104 : vector<16xi32>
    %rem3A_106 = vector.broadcast %jit3A_85 : i32 to vector<16xi32>
    %rem3A_107 = arith.remsi %parallel_loop3A_76, %rem3A_106 : vector<16xi32>
    %ne3A_108 = arith.constant 0 : i32
    %ne3A_109 = vector.broadcast %ne3A_108 : i32 to vector<16xi32>
    %ne3A_110 = arith.cmpi ne, %rem3A_107, %ne3A_109 : vector<16xi32>
    %and3A_111 = arith.andi %ne3A_105, %ne3A_110 : vector<16xi1>
    %sub3A_112 = arith.constant 1 : i32
    %sub3A_113 = vector.broadcast %sub3A_112 : i32 to vector<16xi32>
    %sub3A_114 = arith.subi %div3A_87, %sub3A_113 : vector<16xi32>
    %select_n3A_115 = arith.select %and3A_111, %sub3A_114, %div3A_87 : vector<16xi1>, vector<16xi32>
    %jit3A_116 = arith.constant 10 : i32
    %div3A_117 = arith.divsi %reduce_max3A_84, %jit3A_116 : i32
    %sign3A_118 = arith.constant 0 : i32
    %sign3A_119 = arith.cmpi sgt, %reduce_max3A_84, %sign3A_118 : i32
    %sign3A_120 = arith.extui %sign3A_119 : i1 to i32
    %sign3A_121 = arith.constant 0 : i32
    %sign3A_122 = arith.cmpi slt, %reduce_max3A_84, %sign3A_121 : i32
    %sign3A_123 = arith.extui %sign3A_122 : i1 to i32
    %sign3A_124 = arith.subi %sign3A_120, %sign3A_123 : i32
    %sign3A_125 = arith.constant 0 : i32
    %sign3A_126 = arith.cmpi sgt, %jit3A_116, %sign3A_125 : i32
    %sign3A_127 = arith.extui %sign3A_126 : i1 to i32
    %sign3A_128 = arith.constant 0 : i32
    %sign3A_129 = arith.cmpi slt, %jit3A_116, %sign3A_128 : i32
    %sign3A_130 = arith.extui %sign3A_129 : i1 to i32
    %sign3A_131 = arith.subi %sign3A_127, %sign3A_130 : i32
    %ne3A_132 = arith.cmpi ne, %sign3A_124, %sign3A_131 : i32
    %rem3A_133 = arith.remsi %reduce_max3A_84, %jit3A_116 : i32
    %ne3A_134 = arith.constant 0 : i32
    %ne3A_135 = arith.cmpi ne, %rem3A_133, %ne3A_134 : i32
    %and3A_136 = arith.andi %ne3A_132, %ne3A_135 : i1
    %sub3A_137 = arith.constant 1 : i32
    %sub3A_138 = arith.subi %div3A_117, %sub3A_137 : i32
    %select_n3A_139 = arith.select %and3A_136, %sub3A_138, %div3A_117 : i32
    %parallel_loop3A_140 = arith.constant 0 : i32
    %parallel_loop3A_141 = arith.constant 512 : i32
    %parallel_loop3A_142 = arith.constant 1 : i32
    %parallel_loop3A_143:2 = scf.for %parallel_loop3A_154 = %parallel_loop3A_140 to %parallel_loop3A_141 step %parallel_loop3A_142 iter_args(%parallel_loop3A_155 = %broadcast_in_dim3A_1, %parallel_loop3A_156 = %broadcast_in_dim3A_1) -> (vector<16xi32>, vector<16xi32>)  : i32 {
      %parallel_loop3A_157 = arith.constant 16 : i32
      %parallel_loop3A_158 = arith.muli %parallel_loop3A_154, %parallel_loop3A_157 : i32
      %parallel_loop3A_159 = arith.index_cast %parallel_loop3A_158 : i32 to index
      %parallel_loop3A_160 = tpu.vector_load %arg7[%parallel_loop3A_159] {strides = array<i32>} : memref<8192xi32, #tpu.memory_space<vmem>>, vector<16xi32>,
      %parallel_loop3A_161 = arith.index_cast %parallel_loop3A_158 : i32 to index
      %parallel_loop3A_162 = tpu.vector_load %arg8[%parallel_loop3A_161] {strides = array<i32>} : memref<8192xi32, #tpu.memory_space<vmem>>, vector<16xi32>,
      %parallel_loop3A_163 = arith.cmpi slt, %parallel_loop3A_160, %parallel_loop3A_76 : vector<16xi32>
      %parallel_loop3A_164 = arith.cmpi slt, %parallel_loop3A_162, %parallel_loop3A_76 : vector<16xi32>
      %parallel_loop3A_165 = arith.select %parallel_loop3A_163, %broadcast_in_dim3A_3, %broadcast_in_dim3A_1 : vector<16xi1>, vector<16xi32>
      %parallel_loop3A_166 = arith.select %parallel_loop3A_164, %broadcast_in_dim3A_3, %broadcast_in_dim3A_1 : vector<16xi1>, vector<16xi32>
      %parallel_loop3A_167 = arith.constant true
      %parallel_loop3A_168 = vector.broadcast %parallel_loop3A_167 : i1 to vector<16xi1>
      %parallel_loop3A_169 = tpu.scan <sum>, %parallel_loop3A_165 masked %parallel_loop3A_168 : vector<16xi32>, vector<16xi1> -> vector<16xi32>
      %parallel_loop3A_170 = arith.constant true
      %parallel_loop3A_171 = vector.broadcast %parallel_loop3A_170 : i1 to vector<16xi1>
      %parallel_loop3A_172 = tpu.scan <sum>, %parallel_loop3A_166 masked %parallel_loop3A_171 : vector<16xi32>, vector<16xi1> -> vector<16xi32>
      %parallel_loop3A_173 = arith.addi %parallel_loop3A_155, %parallel_loop3A_169 : vector<16xi32>
      %parallel_loop3A_174 = arith.subi %parallel_loop3A_173, %parallel_loop3A_165 : vector<16xi32>
      tpu.vector_store_idx %arg9[%parallel_loop3A_174], %parallel_loop3A_160 masked %parallel_loop3A_163 : memref<8208xi32, #tpu.memory_space<vmem>>[vector<16xi32>], vector<16xi32>, vector<16xi1>
      %parallel_loop3A_175 = arith.addi %parallel_loop3A_156, %parallel_loop3A_172 : vector<16xi32>
      %parallel_loop3A_176 = arith.subi %parallel_loop3A_175, %parallel_loop3A_166 : vector<16xi32>
      tpu.vector_store_idx %arg10[%parallel_loop3A_176], %parallel_loop3A_162 masked %parallel_loop3A_164 : memref<8208xi32, #tpu.memory_space<vmem>>[vector<16xi32>], vector<16xi32>, vector<16xi1>
      %parallel_loop3A_177 = tpu.all_reduce %parallel_loop3A_163 {dim = 0 : i64, kind = #tpu.reduction_kind<sum>} : vector<16xi1> -> vector<16xi32>
      %parallel_loop3A_178 = arith.addi %parallel_loop3A_155, %parallel_loop3A_177 : vector<16xi32>
      %parallel_loop3A_179 = tpu.all_reduce %parallel_loop3A_164 {dim = 0 : i64, kind = #tpu.reduction_kind<sum>} : vector<16xi1> -> vector<16xi32>
      %parallel_loop3A_180 = arith.addi %parallel_loop3A_156, %parallel_loop3A_179 : vector<16xi32>
      scf.yield %parallel_loop3A_178, %parallel_loop3A_180 : vector<16xi32>, vector<16xi32>
    } {sc.loop_unroll_factor = 4 : i64, sc.parallel_access}
    %gt3A_144 = arith.constant 0 : i32
    %gt3A_145 = arith.cmpi sgt, %select_n3A_139, %gt3A_144 : i32
    %convert_element_type3A_146 = arith.extui %gt3A_145 : i1 to i32
    %cond3A_147 = arith.constant 0 : i32
    %cond3A_148 = arith.cmpi ne, %convert_element_type3A_146, %cond3A_147 : i32
    scf.if %cond3A_148 {
      %gt3A_154 = arith.constant 1625 : i32
      %gt3A_155 = vector.broadcast %gt3A_154 : i32 to vector<16xi32>
      %gt3A_156 = arith.cmpi sgt, %parallel_loop3A_76, %gt3A_155 : vector<16xi32>
      %add3A_157 = arith.constant 15 : i32
      %add3A_158 = arith.addi %select_n3A_139, %add3A_157 : i32
      %jit3A_159 = arith.constant 16 : i32
      %div3A_160 = arith.divsi %add3A_158, %jit3A_159 : i32
      %sign3A_161 = arith.constant 0 : i32
      %sign3A_162 = arith.cmpi sgt, %add3A_158, %sign3A_161 : i32
      %sign3A_163 = arith.extui %sign3A_162 : i1 to i32
      %sign3A_164 = arith.constant 0 : i32
      %sign3A_165 = arith.cmpi slt, %add3A_158, %sign3A_164 : i32
      %sign3A_166 = arith.extui %sign3A_165 : i1 to i32
      %sign3A_167 = arith.subi %sign3A_163, %sign3A_166 : i32
      %sign3A_168 = arith.constant 0 : i32
      %sign3A_169 = arith.cmpi sgt, %jit3A_159, %sign3A_168 : i32
      %sign3A_170 = arith.extui %sign3A_169 : i1 to i32
      %sign3A_171 = arith.constant 0 : i32
      %sign3A_172 = arith.cmpi slt, %jit3A_159, %sign3A_171 : i32
      %sign3A_173 = arith.extui %sign3A_172 : i1 to i32
      %sign3A_174 = arith.subi %sign3A_170, %sign3A_173 : i32
      %ne3A_175 = arith.cmpi ne, %sign3A_167, %sign3A_174 : i32
      %rem3A_176 = arith.remsi %add3A_158, %jit3A_159 : i32
      %ne3A_177 = arith.constant 0 : i32
      %ne3A_178 = arith.cmpi ne, %rem3A_176, %ne3A_177 : i32
      %and3A_179 = arith.andi %ne3A_175, %ne3A_178 : i1
      %sub3A_180 = arith.constant 1 : i32
      %sub3A_181 = arith.subi %div3A_160, %sub3A_180 : i32
      %select_n3A_182 = arith.select %and3A_179, %sub3A_181, %div3A_160 : i32
      %parallel_loop3A_183 = arith.constant 0 : i32
      %parallel_loop3A_184 = arith.constant 1 : i32
      scf.for %parallel_loop3A_226 = %parallel_loop3A_183 to %select_n3A_182 step %parallel_loop3A_184  : i32 {
        %parallel_loop3A_227 = arith.constant 16 : i32
        %parallel_loop3A_228 = arith.muli %parallel_loop3A_226, %parallel_loop3A_227 : i32
        %parallel_loop3A_229 = vector.broadcast %parallel_loop3A_228 : i32 to vector<16xi32>
        %parallel_loop3A_230 = arith.addi %iota3A, %parallel_loop3A_229 : vector<16xi32>
        %parallel_loop3A_231 = arith.cmpi slt, %parallel_loop3A_230, %select_n3A_115 : vector<16xi32>
        %parallel_loop3A_232 = arith.constant 16 : i32
        %parallel_loop3A_233 = arith.muli %parallel_loop3A_226, %parallel_loop3A_232 : i32
        %parallel_loop3A_234 = arith.index_cast %parallel_loop3A_233 : i32 to index
        %parallel_loop3A_235 = tpu.vector_load %arg10[%parallel_loop3A_234] {strides = array<i32>} : memref<8208xi32, #tpu.memory_space<vmem>>, vector<16xi32>,
        %parallel_loop3A_236 = arith.select %gt3A_156, %parallel_loop3A_235, %parallel_loop3A_230 : vector<16xi1>, vector<16xi32>
        %parallel_loop3A_237 = arith.select %parallel_loop3A_231, %parallel_loop3A_236, %broadcast_in_dim3A_1 : vector<16xi1>, vector<16xi32>
        %parallel_loop3A_238 = tpu.vector_load_idx %arg9[%parallel_loop3A_237] : memref<8208xi32, #tpu.memory_space<vmem>>[vector<16xi32>], vector<16xi32>,
        %parallel_loop3A_239 = arith.select %parallel_loop3A_231, %parallel_loop3A_238, %broadcast_in_dim3A_1 : vector<16xi1>, vector<16xi32>
        tpu.vector_store_idx %arg6[%parallel_loop3A_239], %broadcast_in_dim3A_1 masked %parallel_loop3A_231 : memref<8192xi32, #tpu.memory_space<vmem>>[vector<16xi32>], vector<16xi32>, vector<16xi1>
      } {sc.loop_unroll_factor = 4 : i64, sc.parallel_access}
      %parallel_loop3A_185 = arith.constant 0 : i32
      %parallel_loop3A_186 = arith.constant 512 : i32
      %parallel_loop3A_187 = arith.constant 1 : i32
      %parallel_loop3A_188 = scf.for %parallel_loop3A_226 = %parallel_loop3A_185 to %parallel_loop3A_186 step %parallel_loop3A_187 iter_args(%parallel_loop3A_227 = %broadcast_in_dim3A_1) -> (vector<16xi32>)  : i32 {
        %parallel_loop3A_228 = arith.constant 16 : i32
        %parallel_loop3A_229 = arith.muli %parallel_loop3A_226, %parallel_loop3A_228 : i32
        %parallel_loop3A_230 = arith.index_cast %parallel_loop3A_229 : i32 to index
        %parallel_loop3A_231 = tpu.vector_load %arg6[%parallel_loop3A_230] {strides = array<i32>} : memref<8192xi32, #tpu.memory_space<vmem>>, vector<16xi32>,
        %parallel_loop3A_232 = arith.constant 0 : i32
        %parallel_loop3A_233 = vector.broadcast %parallel_loop3A_232 : i32 to vector<16xi32>
        %parallel_loop3A_234 = arith.cmpi sgt, %parallel_loop3A_231, %parallel_loop3A_233 : vector<16xi32>
        %parallel_loop3A_235 = arith.select %parallel_loop3A_234, %broadcast_in_dim3A_3, %broadcast_in_dim3A_1 : vector<16xi1>, vector<16xi32>
        %parallel_loop3A_236 = arith.constant true
        %parallel_loop3A_237 = vector.broadcast %parallel_loop3A_236 : i1 to vector<16xi1>
        %parallel_loop3A_238 = tpu.scan <sum>, %parallel_loop3A_235 masked %parallel_loop3A_237 : vector<16xi32>, vector<16xi1> -> vector<16xi32>
        %parallel_loop3A_239 = arith.addi %parallel_loop3A_227, %parallel_loop3A_238 : vector<16xi32>
        %parallel_loop3A_240 = arith.subi %parallel_loop3A_239, %parallel_loop3A_235 : vector<16xi32>
        tpu.vector_store_idx %arg11[%parallel_loop3A_240], %parallel_loop3A_231 masked %parallel_loop3A_234 : memref<8208xi32, #tpu.memory_space<vmem>>[vector<16xi32>], vector<16xi32>, vector<16xi1>
        %parallel_loop3A_241 = tpu.all_reduce %parallel_loop3A_234 {dim = 0 : i64, kind = #tpu.reduction_kind<sum>} : vector<16xi1> -> vector<16xi32>
        %parallel_loop3A_242 = arith.addi %parallel_loop3A_227, %parallel_loop3A_241 : vector<16xi32>
        scf.yield %parallel_loop3A_242 : vector<16xi32>
      } {sc.loop_unroll_factor = 4 : i64, sc.parallel_access}
      %reduce_max3A_189 = arith.constant true
      %reduce_max3A_190 = vector.broadcast %reduce_max3A_189 : i1 to vector<16xi1>
      %reduce_max3A_191 = arith.constant -2147483648 : i32
      %reduce_max3A_192 = vector.broadcast %reduce_max3A_191 : i32 to vector<16xi32>
      %reduce_max3A_193 = arith.xori %parallel_loop3A_188, %reduce_max3A_192 : vector<16xi32>
      %reduce_max3A_194 = tpu.scan <max>, %reduce_max3A_193 masked %reduce_max3A_190 : vector<16xi32>, vector<16xi1> -> vector<16xi32>
      %reduce_max3A_195 = arith.xori %reduce_max3A_194, %reduce_max3A_192 : vector<16xi32>
      %reduce_max3A_196 = vector.extract %reduce_max3A_195[15] : i32 from vector<16xi32>
      %add3A_197 = arith.addi %parallel_loop3A_188, %iota3A : vector<16xi32>
      tpu.vector_store_idx %arg11[%add3A_197], %broadcast_in_dim3A_1 : memref<8208xi32, #tpu.memory_space<vmem>>[vector<16xi32>], vector<16xi32>,
      %add3A_198 = arith.constant 15 : i32
      %add3A_199 = arith.addi %reduce_max3A_196, %add3A_198 : i32
      %jit3A_200 = arith.constant 16 : i32
      %div3A_201 = arith.divsi %add3A_199, %jit3A_200 : i32
      %sign3A_202 = arith.constant 0 : i32
      %sign3A_203 = arith.cmpi sgt, %add3A_199, %sign3A_202 : i32
      %sign3A_204 = arith.extui %sign3A_203 : i1 to i32
      %sign3A_205 = arith.constant 0 : i32
      %sign3A_206 = arith.cmpi slt, %add3A_199, %sign3A_205 : i32
      %sign3A_207 = arith.extui %sign3A_206 : i1 to i32
      %sign3A_208 = arith.subi %sign3A_204, %sign3A_207 : i32
      %sign3A_209 = arith.constant 0 : i32
      %sign3A_210 = arith.cmpi sgt, %jit3A_200, %sign3A_209 : i32
      %sign3A_211 = arith.extui %sign3A_210 : i1 to i32
      %sign3A_212 = arith.constant 0 : i32
      %sign3A_213 = arith.cmpi slt, %jit3A_200, %sign3A_212 : i32
      %sign3A_214 = arith.extui %sign3A_213 : i1 to i32
      %sign3A_215 = arith.subi %sign3A_211, %sign3A_214 : i32
      %ne3A_216 = arith.cmpi ne, %sign3A_208, %sign3A_215 : i32
      %rem3A_217 = arith.remsi %add3A_199, %jit3A_200 : i32
      %ne3A_218 = arith.constant 0 : i32
      %ne3A_219 = arith.cmpi ne, %rem3A_217, %ne3A_218 : i32
      %and3A_220 = arith.andi %ne3A_216, %ne3A_219 : i1
      %sub3A_221 = arith.constant 1 : i32
      %sub3A_222 = arith.subi %div3A_201, %sub3A_221 : i32
      %select_n3A_223 = arith.select %and3A_220, %sub3A_222, %div3A_201 : i32
      %parallel_loop3A_224 = arith.constant 512 : i32
      %parallel_loop3A_225 = arith.constant 1 : i32
      scf.for %parallel_loop3A_226 = %select_n3A_223 to %parallel_loop3A_224 step %parallel_loop3A_225  : i32 {
        %parallel_loop3A_227 = arith.constant 16 : i32
        %parallel_loop3A_228 = arith.muli %parallel_loop3A_226, %parallel_loop3A_227 : i32
        %parallel_loop3A_229 = arith.index_cast %parallel_loop3A_228 : i32 to index
        %parallel_loop3A_230 = tpu.vector_load %arg11[%parallel_loop3A_229] {strides = array<i32>} : memref<8208xi32, #tpu.memory_space<vmem>>, vector<16xi32>,
        tpu.vector_store %arg11[%parallel_loop3A_229], %broadcast_in_dim3A_1 {strides = array<i32>} : memref<8208xi32, #tpu.memory_space<vmem>>, vector<16xi32>,
      } {sc.loop_unroll_factor = 4 : i64, sc.parallel_access}
      "tpu.region"() ({
        %run_scoped3A = tpu.sem_alloc : memref<!tpu.dma_semaphore, #tpu.memory_space<semaphore_mem>>
        %dma_start3A = arith.constant 0 : i32
        %dma_start3A_226 = tpu.memref_slice %arg11[%dma_start3A] : memref<8208xi32, #tpu.memory_space<vmem>> -> memref<8192xi32, #tpu.memory_space<vmem>>
        %dma_start3A_227 = arith.constant 0 : i32
        %dma_start3A_228 = tpu.memref_slice %arg5[%add3A_72, %dma_start3A_227] : memref<64x8192xi32, #tpu.memory_space<hbm>> -> memref<1x8192xi32, #tpu.memory_space<hbm>>
        %dma_start3A_229 = tpu.memref_squeeze %dma_start3A_228 : memref<1x8192xi32, #tpu.memory_space<hbm>> -> memref<8192xi32, #tpu.memory_space<hbm>>
        %dma_start3A_230 = arith.constant 0 : i32
        %dma_start3A_231 = tpu.memref_slice %arg5[%add3A_72, %dma_start3A_230] : memref<64x8192xi32, #tpu.memory_space<hbm>> -> memref<1x8192xi32, #tpu.memory_space<hbm>>
        %dma_start3A_232 = tpu.memref_squeeze %dma_start3A_231 : memref<1x8192xi32, #tpu.memory_space<hbm>> -> memref<8192xi32, #tpu.memory_space<hbm>>
        %dma_start3A_233 = arith.constant 0 : i32
        %dma_start3A_234 = tpu.memref_slice %arg11[%dma_start3A_233] : memref<8208xi32, #tpu.memory_space<vmem>> -> memref<8192xi32, #tpu.memory_space<vmem>>
        tpu.enqueue_dma source(%dma_start3A_234 : memref<8192xi32, #tpu.memory_space<vmem>>) target(%dma_start3A_232 : memref<8192xi32, #tpu.memory_space<hbm>>) target_semaphore(%run_scoped3A : memref<!tpu.dma_semaphore, #tpu.memory_space<semaphore_mem>>)
        %dma_wait3A = arith.constant 0 : i32
        %dma_wait3A_235 = tpu.memref_slice %arg11[%dma_wait3A] : memref<8208xi32, #tpu.memory_space<vmem>> -> memref<8192xi32, #tpu.memory_space<vmem>>
        %dma_wait3A_236 = arith.constant 0 : i32
        %dma_wait3A_237 = tpu.memref_slice %arg5[%add3A_72, %dma_wait3A_236] : memref<64x8192xi32, #tpu.memory_space<hbm>> -> memref<1x8192xi32, #tpu.memory_space<hbm>>
        %dma_wait3A_238 = tpu.memref_squeeze %dma_wait3A_237 : memref<1x8192xi32, #tpu.memory_space<hbm>> -> memref<8192xi32, #tpu.memory_space<hbm>>
        %dma_wait3A_239 = arith.constant 0 : i32
        %dma_wait3A_240 = tpu.memref_slice %arg5[%add3A_72, %dma_wait3A_239] : memref<64x8192xi32, #tpu.memory_space<hbm>> -> memref<1x8192xi32, #tpu.memory_space<hbm>>
        %dma_wait3A_241 = tpu.memref_squeeze %dma_wait3A_240 : memref<1x8192xi32, #tpu.memory_space<hbm>> -> memref<8192xi32, #tpu.memory_space<hbm>>
        %dma_wait3A_242 = arith.constant 0 : i32
        %dma_wait3A_243 = tpu.memref_slice %arg11[%dma_wait3A_242] : memref<8208xi32, #tpu.memory_space<vmem>> -> memref<8192xi32, #tpu.memory_space<vmem>>
        tpu.wait_dma2 semaphore(%run_scoped3A : memref<!tpu.dma_semaphore, #tpu.memory_space<semaphore_mem>>) src(%dma_wait3A_243 : memref<8192xi32, #tpu.memory_space<vmem>>) dst(%dma_wait3A_241 : memref<8192xi32, #tpu.memory_space<hbm>>)
        tpu.yield
      }) : () -> ()
    } else {
    }
    %eq3A_149 = arith.constant 0 : i32
    %eq3A_150 = arith.cmpi eq, %select_n3A_139, %eq3A_149 : i32
    %convert_element_type3A_151 = arith.extui %eq3A_150 : i1 to i32
    %cond3A_152 = arith.constant 0 : i32
    %cond3A_153 = arith.cmpi ne, %convert_element_type3A_151, %cond3A_152 : i32
    scf.if %cond3A_153 {
      "tpu.region"() ({
        %run_scoped3A = tpu.sem_alloc : memref<!tpu.dma_semaphore, #tpu.memory_space<semaphore_mem>>
        %dma_start3A = arith.constant 0 : i32
        %dma_start3A_154 = tpu.memref_slice %arg5[%add3A_72, %dma_start3A] : memref<64x8192xi32, #tpu.memory_space<hbm>> -> memref<1x8192xi32, #tpu.memory_space<hbm>>
        %dma_start3A_155 = tpu.memref_squeeze %dma_start3A_154 : memref<1x8192xi32, #tpu.memory_space<hbm>> -> memref<8192xi32, #tpu.memory_space<hbm>>
        %dma_start3A_156 = arith.constant 0 : i32
        %dma_start3A_157 = tpu.memref_slice %arg5[%add3A_72, %dma_start3A_156] : memref<64x8192xi32, #tpu.memory_space<hbm>> -> memref<1x8192xi32, #tpu.memory_space<hbm>>
        %dma_start3A_158 = tpu.memref_squeeze %dma_start3A_157 : memref<1x8192xi32, #tpu.memory_space<hbm>> -> memref<8192xi32, #tpu.memory_space<hbm>>
        tpu.enqueue_dma source(%arg6 : memref<8192xi32, #tpu.memory_space<vmem>>) target(%dma_start3A_158 : memref<8192xi32, #tpu.memory_space<hbm>>) target_semaphore(%run_scoped3A : memref<!tpu.dma_semaphore, #tpu.memory_space<semaphore_mem>>)
        %dma_wait3A = arith.constant 0 : i32
        %dma_wait3A_159 = tpu.memref_slice %arg5[%add3A_72, %dma_wait3A] : memref<64x8192xi32, #tpu.memory_space<hbm>> -> memref<1x8192xi32, #tpu.memory_space<hbm>>
        %dma_wait3A_160 = tpu.memref_squeeze %dma_wait3A_159 : memref<1x8192xi32, #tpu.memory_space<hbm>> -> memref<8192xi32, #tpu.memory_space<hbm>>
        %dma_wait3A_161 = arith.constant 0 : i32
        %dma_wait3A_162 = tpu.memref_slice %arg5[%add3A_72, %dma_wait3A_161] : memref<64x8192xi32, #tpu.memory_space<hbm>> -> memref<1x8192xi32, #tpu.memory_space<hbm>>
        %dma_wait3A_163 = tpu.memref_squeeze %dma_wait3A_162 : memref<1x8192xi32, #tpu.memory_space<hbm>> -> memref<8192xi32, #tpu.memory_space<hbm>>
        tpu.wait_dma2 semaphore(%run_scoped3A : memref<!tpu.dma_semaphore, #tpu.memory_space<semaphore_mem>>) src(%arg6 : memref<8192xi32, #tpu.memory_space<vmem>>) dst(%dma_wait3A_163 : memref<8192xi32, #tpu.memory_space<hbm>>)
        tpu.yield
      }) : () -> ()
    } else {
    }
    return
  }
}

</mosaic_0001>

<sc_bundles>
// kernel: kernel.3.cloned.1.call-start
scs
__scs_entry_jumppad:
0x0: {  	(pc) =	sbr.rel $0x88, $3  }
0x1: {  	(tag) =	ssettag $0x0;
	lr =	simm.s32 $0x1  }
0x2: {  	[smem:$0x3FA0] =	sst lr;
	_ =	strace $0xD0000000  }
0x3: {  	_ = 	snop  }
0x4: {  	_ = 	snop  }
0x5: {  	_ = 	snop  }
0x6: {  	_ = 	snop  }
0x7: {  	_ = 	snop  }
__scs_overlays_trampoline_lowered:
0x8: {  	[smem:$0x3FAF] =	sst s0  }
0x9: {  	[smem:$0x3FB0] =	sst s1  }
0xa: {  	[smem:$0x3FB1] =	sst s2  }
0xb: {  	[smem:$0x3FB2] =	sst s3  }
0xc: {  	[smem:$0x3FB3] =	sst s4  }
0xd: {  	[smem:$0x3FB4] =	sst s5  }
0xe: {  	[smem:$0x3FB5] =	sst s6  }
0xf: {  	[smem:$0x3FB6] =	sst s7  }
0x10: {  	[smem:$0x3FB7] =	sst s8  }
0x11: {  	[smem:$0x3FB8] =	sst s9;
	s0 =	simm.s32 @!p0 $0x0  }
0x12: {  	s1 =	sld [smem:$0x3F9E];
	s0 =	simm.s32 @p0 $0x1  }
0x13: {  	[smem:$0x3FB9] =	sst s0;
	s0 =	simm.s32 @!p1 $0x0  }
0x14: {  	s2 =	sld [smem:$0x3F9D];
	s0 =	simm.s32 @p1 $0x1  }
0x15: {  	[smem:$0x3FBA] =	sst s0;
	s0 =	simm.s32 @!p2 $0x0  }
0x16: {  	s3 =	sld [smem:$0x3FDB];
	s0 =	simm.s32 @p2 $0x1  }
0x17: {  	s4 =	simm.s32 $0x1BF5;
	[smem:$0x3FBC] =	sst s0  }
0x18: {  	s0 =	sld [smem:$0x3F9F];
	_ =	swait.ge [sflag:s4], $0x0  }
0x19: {  	s7 =	sld [smem:$0x3FA0]  }
0x1a: {  	s8 =	sadd.s32 $0xFFFFE003, lr  }
0x1b: {  	s9 =	sadd.s32 $0xFFFFFEF7, lr;
	s5 =	simm.s32 $0xFFFFFFFF;
	p2 =	slt.u32 s8, $0xFFFFF086  }
0x1c: {  	p1 =	slt.u32 s9, $0xF7A;
	s5 =	simm.s32 @!p2 $0x0  }
0x1d: {  	s5 =	simm.s32 @p1 $0x1;
	p0 =	seq.s32 s7, s2  }
0x1e: {  	s7 =	smul.u32 @!p0 $0xF7A, s2;
	p2 =	seq.s32 @!p0 s5, $0x0  }
0x1f: {  	s9 =	smul.u32 $0xF7A, s1;
	s8 =	simm.s32 @!p0 $0x1BF5;
	p2 =	por !p2, p0  }
0x20: {  	[sflag:s8] =	ssyncset.s32 @!p0 $0xFFFFF086;
	s6 =	sadd.s32 @!p0 s3, s7;
	s7 =	simm.s32 @!p0 $0x108  }
0x21: {  	s3 =	sadd.s32 s3, s9;
	s6 =	sadd.s32 @!p0 $0x88, s6;
	s7 =	simm.s32 @p2 $0x1082  }
0x22: {  	[simem:s7], [sflag:s8] =	dma.local @!p0 [hbm:s6], $0xF7A  }
0x23: {  	s9 =	sor.u32 $0xD0000000, s2;
	s6 =	simm.s32 $0x108;
	_ =	swait.ge @!p0 [sflag:s8], $0x0  }
0x24: {  	s3 =	sadd.s32 $0x88, s3;
	s6 =	simm.s32 @!p1 $0x1082;
	[sflag:s4] =	ssyncset.s32 $0xFFFFF086  }
0x25: {  	[simem:s6], [sflag:s4] =	dma.local [hbm:s3], $0xF7A  }
0x26: {  	[smem:$0x3FA0] =	sst s1;
	(tag) =	ssettag s2;
	_ =	strace s9  }
0x27: {  	s1 =	sld [smem:$0x3FB0]  }
0x28: {  	s2 =	sld [smem:$0x3FB1]  }
0x29: {  	s4 =	sld [smem:$0x3FB3]  }
0x2a: {  	p0 =	seq.s32 s5, $0x0;
	s5 =	sld [smem:$0x3FB4]  }
0x2b: {  	s6 =	sld [smem:$0x3FB5]  }
0x2c: {  	s7 =	sld [smem:$0x3FB6]  }
0x2d: {  	s3 =	simm.s32 $0x108;
	s8 =	sld [smem:$0x3FB7]  }
0x2e: {  	s3 =	simm.s32 @!p0 $0x1082;
	s9 =	sld [smem:$0x3FB8]  }
0x2f: {  	lr =	sadd.s32 s0, s3;
	s0 =	sld [smem:$0x3FAF]  }
0x30: {  	s3 =	sld [smem:$0x3FB2]  }
0x31: {  	[smem:$0x3FBB] =	sst s10  }
0x32: {  	s10 =	sld [smem:$0x3FB9];
	_ =	sdelay $0x3  }
0x33: {  	p0 =	seq.s32 s10, $0x1;
	s10 =	sld [smem:$0x3FBB];
	_ =	sdelay $0x3  }
0x34: {  	[smem:$0x3FBB] =	sst s10  }
0x35: {  	s10 =	sld [smem:$0x3FBA];
	_ =	sdelay $0x3  }
0x36: {  	p1 =	seq.s32 s10, $0x1;
	s10 =	sld [smem:$0x3FBB];
	_ =	sdelay $0x3  }
0x37: {  	[smem:$0x3FBB] =	sst s10  }
0x38: {  	s10 =	sld [smem:$0x3FBC]  }
0x39: {  	_ = 	snop;
	(pc) =	sbr.ind lr, $3  }
0x3a: {  	_ = 	snop  }
0x3b: {  	_ = 	snop  }
0x3c: {  	p2 =	seq.s32 s10, $0x1;
	s10 =	sld [smem:$0x3FBB]  }
0x3d: {  	_ =	shalt  }
0x3e: {  	_ =	shalt  }
0x3f: {  	_ =	shalt  }
0x40: {  	_ =	shalt  }
0x41: {  	_ =	shalt  }
0x42: {  	_ =	shalt  }
0x43: {  	_ =	shalt  }
0x44: {  	_ =	shalt  }
0x45: {  	_ =	shalt  }
0x46: {  	_ =	shalt  }
0x47: {  	_ =	shalt  }
0x48: {  	_ =	shalt  }
0x49: {  	_ =	shalt  }
0x4a: {  	_ =	shalt  }
0x4b: {  	_ =	shalt  }
0x4c: {  	_ =	shalt  }
0x4d: {  	_ =	shalt  }
0x4e: {  	_ =	shalt  }
0x4f: {  	_ =	shalt  }
0x50: {  	_ =	shalt  }
0x51: {  	_ =	shalt  }
0x52: {  	_ =	shalt  }
0x53: {  	_ =	shalt  }
0x54: {  	_ =	shalt  }
0x55: {  	_ =	shalt  }
0x56: {  	_ =	shalt  }
0x57: {  	_ =	shalt  }
0x58: {  	_ =	shalt  }
0x59: {  	_ =	shalt  }
0x5a: {  	_ =	shalt  }
0x5b: {  	_ =	shalt  }
0x5c: {  	_ =	shalt  }
0x5d: {  	_ =	shalt  }
0x5e: {  	_ =	shalt  }
0x5f: {  	_ =	shalt  }
0x60: {  	_ =	shalt  }
0x61: {  	_ =	shalt  }
0x62: {  	_ =	shalt  }
0x63: {  	_ =	shalt  }
0x64: {  	_ =	shalt  }
0x65: {  	_ =	shalt  }
0x66: {  	_ =	shalt  }
0x67: {  	_ =	shalt  }
0x68: {  	_ =	shalt  }
0x69: {  	_ =	shalt  }
0x6a: {  	_ =	shalt  }
0x6b: {  	_ =	shalt  }
0x6c: {  	_ =	shalt  }
0x6d: {  	_ =	shalt  }
0x6e: {  	_ =	shalt  }
0x6f: {  	_ =	shalt  }
0x70: {  	_ =	shalt  }
0x71: {  	_ =	shalt  }
0x72: {  	_ =	shalt  }
0x73: {  	_ =	shalt  }
0x74: {  	_ =	shalt  }
0x75: {  	_ =	shalt  }
0x76: {  	_ =	shalt  }
0x77: {  	_ =	shalt  }
0x78: {  	_ =	shalt  }
0x79: {  	_ =	shalt  }
0x7a: {  	_ =	shalt  }
0x7b: {  	_ =	shalt  }
0x7c: {  	_ =	shalt  }
0x7d: {  	_ =	shalt  }
0x7e: {  	_ =	shalt  }
0x7f: {  	_ =	shalt  }
0x80: {  	_ =	shalt  }
0x81: {  	_ =	shalt  }
0x82: {  	_ =	shalt  }
0x83: {  	_ =	shalt  }
0x84: {  	_ =	shalt  }
0x85: {  	_ =	shalt  }
0x86: {  	_ =	shalt  }
0x87: {  	_ =	shalt  }
.Lfunc_end0:
.L_simem_size_0:
called_computation_lowered:
.L_overlay_start_0:
0x88: {  	s2 =	sld [smem:$0x3FD9]  }
0x89: {  	s3 =	sld [smem:$0x3FFE];
	_ =	sdelay $0x1  }
0x8a: {  	s1 =	srdreg.scid  }
0x8b: {  	s0 =	sand.u32 $0x1, s1  }
0x8c: {  	s17 =	sshll.u32 s0, $0xA;
	s2 =	sadd.s32 s3, s2  }
0x8d: {  	s2 =	sadd.s32 s2, s17  }
0x8e: {  	[smem:$0x3FC7] =	sst s2  }
0x8f: {  	_ = 	snop  }
0x90: {  	s2 =	sld [smem:$0x3FD0];
	(tm) =	ssettm $0x1  }
0x91: {  	s18 =	sld [smem:$0x3FFB];
	_ =	sdelay $0x3  }
0x92: {  	_ =	strace s18  }
0x93: {  	s3 =	sld [smem:$0x3FFC];
	_ =	sdelay $0x3  }
0x94: {  	_ =	strace s3  }
0x95: {  	s3 =	sld [smem:$0x3FFD];
	_ =	sdelay $0x3  }
0x96: {  	_ =	strace s3  }
0x97: {  	_ =	strace $0x8FFFFFFF  }
0x98: {  	s19 =	sld [smem:$0x3FDB];
	_ =	sdelay $0x1  }
0x99: {  	s4 =	simm.s32 $_scs_section_size  }
0x9a: {  	s5 =	simm.s32 $_size__tile_overlayer_lowered;
	s6 =	simm.s32 $_tile_overlayer_lowered  }
0x9b: {  	s22 =	simm.s32 $0x1BFF;
	s21 =	sshll.u32 s6, $0x1;
	s3 =	sadd.s32 s4, s19  }
0x9c: {  	s7 =	simm.s32 $0x0;
	s20 =	sshll.u32 s5, $0x1;
	s5 =	sadd.s32 s21, s3  }
0x9d: {  	[timem:s7], [sflag:s22] =	dma.local [hbm:s5], s20  }
0x9e: {  	_ =	swait.ge [sflag:s22], s20  }
0x9f: {  	s4 =	ssub.s32 $0x0, s20;
	[sflag:s22] =	ssyncset.done $0x0  }
0xa0: {  	[sflag:s22] =	ssyncadd.s32 s4;
	_ =	sdelay $0x1  }
0xa1: {  	s23 =	simm.s32 $0x1B8B  }
0xa2: {  	_ =	swait.ge [sflag:s23], $0x1  }
0xa3: {  	[sflag:s23] =	ssyncset.done $0x0  }
0xa4: {  	s25 =	simm.s32 $0x1B8E;
	s24 =	sld [smem:$0x3FFE];
	[sflag:s23] =	ssyncadd.s32 $0xFFFFFFFF  }
0xa5: {  	s26 =	simm.s32 $execute0_lowered;
	[smem:$0x3FD2] =	sst s25  }
0xa6: {  	s5 =	sshll.u32 s26, $0x1;
	_ =	strace $0x80000046;
	[dreg:$0x1] =	wrdreg $0xFFFFFFFF  }
0xa7: {  	s28 =	simm.s32 $_size_execute0_lowered;
	s3 =	sadd.s32 s3, s5;
	[dreg:$0x0] =	wrdreg $0x0  }
0xa8: {  	s5 =	sshll.u32 s28, $0x1;
	[dreg:$0x2] =	wrdreg s3  }
0xa9: {  	[dreg:$0x3] =	wrdreg s5  }
0xaa: {  	[dreg:$0x4] =	wrdreg $0xC0  }
0xab: {  	_ =	task [dreg:s7], $0x5FFFF  }
0xac: {  	[dreg:$0x1] =	wrdreg $0xFFFFFFFF  }
0xad: {  	[dreg:$0x0] =	wrdreg $0x60  }
0xae: {  	[dreg:$0x2] =	wrdreg s2  }
0xaf: {  	[dreg:$0x3] =	wrdreg s24  }
0xb0: {  	[dreg:$0x4] =	wrdreg $0x9  }
0xb1: {  	_ =	task.clear_ibuf [dreg:s7], $0x5FFFF;
	_ =	strace $0x90000046  }
0xb2: {  	s29 =	simm.s32 $0x9;
	_ =	strace $0x80000048  }
0xb3: {  	_ =	swait.ge [sflag:s29], $0x1  }
0xb4: {  	[sflag:s29] =	ssyncadd.s32 $0xFFFFFFFF  }
0xb5: {  	_ =	strace $0x90000048  }
0xb6: {  	_ =	sfence  }
0xb7: {  	s30 =	sld [smem:$0x0];
	_ =	sdelay $0x2  }
0xb8: {  	s31 =	sshll.u32 s1, $0xD;
	s1 =	sshrl.u32 s1, $0x2  }
0xb9: {  	s3 =	sand.u32 $0x4000, s31;
	s1 =	sadd.s32 s1, s30  }
0xba: {  	s0 =	sor.u32 s3, s0;
	s1 =	sshll.u32 s1, $0x11  }
0xbb: {  	s0 =	sor.u32 s1, s0  }
0xbc: {  	s0 =	sadd.s32 $0x8F2B, s0  }
0xbd: {  	[sflag:s0] =	ssyncadd.remote.s32 $0x1  }
0xbe: {  	_ =	sfence.sel $0xFFFF  }
0xbf: {  	[dreg:$0x0] =	wrdreg $0xFFFFFFFF;
	(pc) =	sbr.abs _section_cstart, $3  }
0xc0: {  	[dreg:$0x1] =	wrdreg $0xFFFFFFFF  }
0xc1: {  	_ =	task.clear_ibuf [dreg:s7], $0x2FFFF;
	_ =	strace $0x9FFFFFFF  }
0xc2: {  	(tm) =	ssettm $0x7FFFFFFF  }
0xc3: {  	_ =	shalt  }
tec
execute0_lowered:
.L_overlay_start_1:
0x0: {  	(tag) =	ssettag $0x1  }
0x1: {  	s0 =	rddreg [dreg:$0x0]  }
0x2: {  	s1 =	rddreg [dreg:$0x1];
	s2 =	simm.s32 $0x0  }
0x3: {  	s3 =	srdreg.scid;
	s5 =	stileid.u32;
	s11 =	simm.s32 $0x1  }
0x4: {  	s17 =	simm.s32 $0x6000;
	s3 =	sand.u32 $0x1, s3;
	s4 =	sshll.u32 s5, $0x5  }
0x5: {  	s5 =	sshll.u32 s5, $0xB;
	s7 =	sshll.u32 s3, $0x4;
	s4 =	sand.u32 $0x60, s4  }
0x6: {  	[smem:$0x7FF] =	sst s2;
	s5 =	sand.u32 $0x6000, s5;
	s4 =	sor.u32 s7, s4  }
0x7: {  	s6 =	sadd.s32 $0x10400, s1;
	s9 =	sadd.s32 $0x400, s1;
	s8 =	sor.u32 s5, s4  }
0x8: {  	s1 =	sadd.s32 $0x20400, s1;
	_ =	strace $0x80000047;
	s4 =	sadd.s32 s0, s8  }
0x9: {  	s3 =	ssub.s32 $0x2, s3;
	s24 =	sadd.s32 s6, s8;
	[dreg:$0x3] =	wrdreg s4  }
0xa: {  	s23 =	sshrl.u32 s3, $0x1;
	s25 =	sadd.s32 s9, s8;
	[dreg:$0x4] =	wrdreg s24  }
0xb: {  	s3 =	ssub.s32 s3, s23;
	s26 =	sadd.s32 s1, s8;
	[dreg:$0x5] =	wrdreg s25  }
0xc: {  	s10 =	sor.u32 $0x8000, s8;
	s31 =	smax.u32 s3, $0x1;
	[dreg:$0x6] =	wrdreg s26  }
.Ltmp0:
0xd: {  	s0 =	sadd.s32 s0, s10;
	[dreg:$0xb] =	wrdreg s31;
	(pc) =	sbr.rel .LBB2_1-.Ltmp0, $4  }
0xe: {  	v0 =	vimm.s32 $0xECA86420;
	vm0 =	vcmask $0xB08;
	vm1 =	vcmask $0x1310;
	s18 =	simm.s32 $0x8080;
	s28 =	sadd.s32 s6, s10;
	[dreg:$0x7] =	wrdreg s0  }
0xf: {  	vm3 =	vmmov $0xff;
	v4 =	vimm.s32 $0x0;
	s19 =	simm.s32 $0xA100;
	v1 =	vunpack.c.l.s4.s8 v0;
	s29 =	sadd.s32 s9, s10;
	[dreg:$0x8] =	wrdreg s28  }
0x10: {  	vm2 =	vcmask $0x1B18;
	v2 =	vlaneseq.u32;
	v4 =	vsel vm3, $0xFFFFFFFF, v4;
	s8 =	simm.s32 $0x80;
	s30 =	sadd.s32 s1, s10;
	[dreg:$0x9] =	wrdreg s29  }
0x11: {  	v0 =	vimm.s32 $0x0;
	v3 =	vmul.u32 $0x2, v2;
	[tilespmem:$0x1FFF0] =	vst v4;
	v1 =	vunpack.c.0.s8.s32 v1;
	s9 =	simm.s32 $0x400;
	s1 =	simm.s32 $0x0;
	[dreg:$0xa] =	wrdreg s30  }
.LBB2_47:
0x12: {  	s1 =	rddreg [dreg:$0xc]  }
.LBB2_62:
0x13: {  	s0 =	rddreg [dreg:$0xa]  }
0x14: {  	[hbm4b:s0+s8] =	stream.strided.scatter [tilespmem:s3], [sflag:$0x1], $0x2000, s9, s8, $0x38;
	[tilespmem:$0xC180] =	vst v63  }
0x15: {  	_ =	swait.ge [sflag:s11], $0x2000  }
0x16: {  	[sflag:s11] =	ssyncset.done $0x0  }
0x17: {  	[sflag:s11] =	ssyncadd.s32 $0xFFFFE000  }
.LBB2_63:
0x18: {  	s1 =	sadd.s32 $0x1, s1;
	s0 =	rddreg [dreg:$0xb]  }
0x19: {  	p0 =	sne.s32 s1, s0  }
.Ltmp1:
0x1a: {  	_ = 	snop;
	(pc) =	sbr.rel @!p0 .LBB2_64-.Ltmp1, $1  }
0x1b: {  	_ =	sdelay $0x3  }
.LBB2_1:
0x1c: {  	[dreg:$0xc] =	wrdreg s1  }
0x1d: {  	s0 =	rddreg [dreg:$0x3]  }
0x1e: {  	[tilespmem:s2], [sflag:$0x1] =	stream.strided.gather [hbm4b:s0+s8], $0x2000, s9, s8, $0x38;
	[tilespmem:$0xC180] =	vst v63  }
0x1f: {  	_ =	swait.ge [sflag:s11], $0x2000  }
0x20: {  	[sflag:s11] =	ssyncset.done $0x0  }
0x21: {  	s28 =	simm.s32 $0x2000;
	s26 =	rddreg [dreg:$0x4];
	[sflag:s11] =	ssyncadd.s32 $0xFFFFE000  }
0x22: {  	[tilespmem:s28], [sflag:$0x1] =	stream.strided.gather [hbm4b:s26+s8], $0x2000, s9, s8, $0x38;
	[tilespmem:$0xC180] =	vst v63  }
0x23: {  	_ =	swait.ge [sflag:s11], $0x2000  }
0x24: {  	[sflag:s11] =	ssyncset.done $0x0  }
0x25: {  	s30 =	simm.s32 $0x4000;
	s29 =	rddreg [dreg:$0x5];
	[sflag:s11] =	ssyncadd.s32 $0xFFFFE000  }
0x26: {  	[tilespmem:s30], [sflag:$0x1] =	stream.strided.gather [hbm4b:s29+s8], $0x2000, s9, s8, $0x38;
	[tilespmem:$0xC180] =	vst v63  }
0x27: {  	_ =	swait.ge [sflag:s11], $0x2000  }
0x28: {  	[sflag:s11] =	ssyncset.done $0x0  }
0x29: {  	s31 =	simm.s32 $0x20;
	[sflag:s11] =	ssyncadd.s32 $0xFFFFE000  }
0x2a: {  	v4 =	vld [tilespmem:s31+$0xFFFFFFE0]  }
0x2b: {  	v5 =	vld [tilespmem:s31+$0xFFFFFFF0]  }
0x2c: {  	v7 =	vld [tilespmem:s31+$0x0];
	_ =	sdelay $0x1  }
0x2d: {  	v8 =	vld [tilespmem:s31+$0x10]  }
0x2e: {  	vm3 =	vgt.s32 v4, $0x0  }
0x2f: {  	s0 =	simm.s32 $0x60;
	v4 =	vmpcnt.ones.xlane vm3;
	vm3 =	vgt.s32 v5, $0x0  }
0x30: {  	v6 =	vld [tilespmem:s0+$0xFFFFFFE0];
	v9 =	vmpcnt.ones.xlane vm3;
	vm3 =	vgt.s32 v7, $0x0  }
0x31: {  	v5 =	vld [tilespmem:s0+$0xFFFFFFF0];
	v7 =	vadd.s32 v0, v4;
	v10 =	vmpcnt.ones.xlane vm3  }
0x32: {  	v4 =	vld [tilespmem:s0+$0x0];
	vm3 =	vgt.s32 v8, $0x0;
	v8 =	vadd.s32 v9, v7  }
0x33: {  	s21 =	simm.s32 $0x0;
	s3 =	simm.s32 $0x4;
	v7 =	vld [tilespmem:s0+$0x10];
	v9 =	vmpcnt.ones.xlane vm3;
	v10 =	vadd.s32 v10, v8  }
.LBB2_2:
0x34: {  	s3 =	sadd.s32 $0x4, s3  }
0x35: {  	vm3 =	vgt.s32 v6, $0x0;
	s0 =	sadd.s32 $0x40, s0;
	v8 =	vadd.s32 v9, v10;
	s1 =	simm.s32 $0x4020;
	p0 =	slt.u32 s3, $0x1FC  }
.Ltmp2:
0x36: {  	v6 =	vld [tilespmem:s0+$0xFFFFFFE0];
	v9 =	vmpcnt.ones.xlane vm3;
	vm3 =	vgt.s32 v5, $0x0;
	(pc) =	sbr.rel @p0 .LBB2_2-.Ltmp2, $4  }
0x37: {  	v5 =	vld [tilespmem:s0+$0xFFFFFFF0];
	v10 =	vmpcnt.ones.xlane vm3;
	vm3 =	vgt.s32 v4, $0x0  }
0x38: {  	v4 =	vld [tilespmem:s0+$0x0];
	v8 =	vadd.s32 v8, v9;
	v11 =	vmpcnt.ones.xlane vm3;
	vm3 =	vgt.s32 v7, $0x0  }
0x39: {  	v7 =	vld [tilespmem:s0+$0x10];
	v8 =	vadd.s32 v10, v8;
	v9 =	vmpcnt.ones.xlane vm3  }
0x3a: {  	v10 =	vadd.s32 v11, v8  }
0x3b: {  	s0 =	simm.s32 $0x2020;
	vm3 =	vgt.s32 v6, $0x0;
	v6 =	vld [tilespmem:s1+$0x0]  }
0x3c: {  	v8 =	vld [tilespmem:s0+$0xFFFFFFF0];
	v11 =	vmpcnt.ones.xlane vm3;
	vm3 =	vgt.s32 v5, $0x0  }
0x3d: {  	v9 =	vadd.s32 v9, v10;
	v5 =	vld [tilespmem:s1+$0x10];
	v10 =	vmpcnt.ones.xlane vm3;
	vm3 =	vgt.s32 v4, $0x0  }
0x3e: {  	v12 =	vld [tilespmem:s0+$0x10];
	v4 =	vadd.s32 v9, v11;
	v9 =	vmpcnt.ones.xlane vm3;
	vm3 =	vgt.s32 v7, $0x0  }
0x3f: {  	v7 =	vld [tilespmem:s1+$0xFFFFFFE0];
	v4 =	vadd.s32 v10, v4;
	v11 =	vmpcnt.ones.xlane vm3  }
0x40: {  	v10 =	vld [tilespmem:s0+$0x0];
	v4 =	vadd.s32 v9, v4  }
0x41: {  	v9 =	vld [tilespmem:s0+$0xFFFFFFE0];
	v4 =	vadd.s32 v11, v4  }
0x42: {  	vm10 =	vlt.s32 v8, v4  }
0x43: {  	v13 =	vimm.s32 $0x0;
	vm15 =	vlt.s32 v5, v4;
	v14 =	vsel vm10, $0x1, v0  }
0x44: {  	v11 =	vld [tilespmem:s1+$0xFFFFFFF0];
	vm3 =	vlt.s32 v6, v4;
	vm14 =	vlt.s32 v12, v4;
	v15 =	vsel vm15, $0x1, v0;
	(xrf0) =	vadd.scan.msk.s32 $0xffff, v14  }
0x45: {  	v17 =	vsel vm10, $0xFFFFFFFF, v0;
	vm9 =	vlt.s32 v7, v4;
	v18 =	vsel vm14, $0xFFFFFFFF, v0;
	(xrf0) =	vadd.scan.msk.s32 $0xffff, v15  }
0x46: {  	vm11 =	vlt.s32 v10, v4;
	v14 =	vsel vm14, $0x1, v0;
	vm13 =	vlt.s32 v9, v4  }
0x47: {  	v21 =	vsel vm3, $0x1, v0;
	(xrf0) =	vadd.scan.msk.s32 $0xffff, v14;
	v14 =	vsel vm11, $0x1, v0;
	v20 =	vmpcnt.ones.xlane vm13  }
0x48: {  	v23 =	vmpcnt.ones.xlane vm14;
	v28 =	vsel vm9, $0x1, v0;
	v15 =	vmpcnt.ones.xlane vm10;
	(xrf0) =	vadd.scan.msk.s32 $0xffff, v14  }
0x49: {  	vm12 =	vlt.s32 v11, v4;
	v22 =	vsel vm13, $0x1, v0;
	(xrf0) =	vadd.scan.msk.s32 $0xffff, v21;
	v20 =	vadd.s32 v13, v20  }
0x4a: {  	v26 =	vsel vm12, $0x1, v0;
	v21 =	vmpcnt.ones.xlane vm11;
	v15 =	vadd.s32 v20, v15;
	v27, _, _ =	vpop (xrf0);
	(xrf0) =	vadd.scan.msk.s32 $0xffff, v22  }
0x4b: {  	v29 =	vmpcnt.ones.xlane vm9;
	v19 =	vsel vm11, $0xFFFFFFFF, v0;
	v25 =	vsel vm13, $0xFFFFFFFF, v0;
	v14, _, _ =	vpop (xrf0);
	(xrf0) =	vadd.scan.msk.s32 $0xffff, v26  }
0x4c: {  	v16 =	vsel vm12, $0xFFFFFFFF, v0;
	v17 =	vadd.s32 v17, v20;
	v24 =	vadd.s32 v15, v21  }
0x4d: {  	v30 =	vadd.s32 v19, v15;
	v19 =	vmpcnt.ones.xlane vm12;
	v18 =	vadd.s32 v18, v24;
	v15, _, _ =	vpop (xrf0);
	(xrf0) =	vadd.scan.msk.s32 $0xffff, v28  }
0x4e: {  	v21 =	vadd.s32 v25, v13;
	v22 =	vadd.s32 v13, v29;
	v20 =	vadd.s32 v15, v18;
	v15, _, _ =	vpop (xrf0)  }
0x4f: {  	s22 =	simm.s32 $0x4060;
	s23 =	simm.s32 $0x2060;
	v19 =	vadd.s32 v22, v19;
	v18 =	vadd.s32 v27, v17;
	v15 =	vadd.s32 v15, v30;
	v17, _, _ =	vpop (xrf0)  }
.LBB2_4:
0x50: {  	v25 =	vld [tilespmem:s23+$0xFFFFFFF0];
	s21 =	sadd.s32 $0x4, s21;
	v26 =	vsel vm9, $0xFFFFFFFF, v0;
	v27 =	vadd.s32 v24, v23;
	v23, _, _ =	vpop (xrf0);
	vm4 =	vmmov vm15  }
0x51: {  	v16 =	vadd.s32 v16, v22;
	vm5 =	vmmov vm3;
	v24 =	vld [tilespmem:s22+$0x10];
	p0 =	slt.u32 s21, $0x1FC;
	v21 =	vadd.s32 v23, v21;
	v22, _, _ =	vpop (xrf0)  }
0x52: {  	v23 =	vld [tilespmem:s22+$0x0];
	v16 =	vadd.s32 v22, v16;
	v22 =	vmpcnt.ones.xlane vm5  }
0x53: {  	v13 =	vadd.s32 v26, v13;
	v26 =	vsel vm4, $0xFFFFFFFF, v0;
	[tilespmem:v20+s17+$0x0] =	vst.idx.msk vm14, v12;
	v12 =	vld [tilespmem:s23+$0x10];
	v20 =	vmpcnt.ones.xlane vm4;
	v28, _, _ =	vpop (xrf0)  }
0x54: {  	v30 =	vsel vm5, $0xFFFFFFFF, v0;
	v29 =	vld [tilespmem:s22+$0xFFFFFFE0];
	v28 =	vadd.s32 v28, v13;
	[tilespmem:v18+s17+$0x0] =	vst.idx.msk vm10, v8;
	v13 =	vadd.s32 v19, v22  }
0x55: {  	v19 =	vadd.s32 v30, v19;
	vm10 =	vlt.s32 v25, v4;
	v18 =	vld [tilespmem:s23+$0x0];
	v22 =	vadd.s32 v26, v13;
	v8 =	vmovc v25  }
0x56: {  	v25 =	vld [tilespmem:s22+$0xFFFFFFF0];
	v26 =	vsel vm10, $0x1, v0;
	vm15 =	vlt.s32 v24, v4;
	[tilespmem:v21+s17+$0x0] =	vst.idx.msk vm13, v9;
	v14 =	vadd.s32 v14, v22  }
0x57: {  	v9 =	vld [tilespmem:s23+$0xFFFFFFE0];
	v21 =	vsel vm15, $0x1, v0;
	(xrf0) =	vadd.scan.msk.s32 $0xffff, v26;
	[tilespmem:v15+s17+$0x0] =	vst.idx.msk vm11, v10;
	v15 =	vadd.s32 v17, v19  }
0x58: {  	v13 =	vadd.s32 v13, v20;
	vm3 =	vlt.s32 v23, v4;
	[tilespmem:v16+s18+$0x0] =	vst.idx.msk vm12, v11  }
0x59: {  	v17 =	vsel vm10, $0xFFFFFFFF, v0;
	vm14 =	vlt.s32 v12, v4;
	[tilespmem:v28+s18+$0x0] =	vst.idx.msk vm9, v7;
	v7 =	vmov v29  }
0x5a: {  	v16 =	vsel vm14, $0x1, v0;
	vm9 =	vlt.s32 v7, v4;
	vm11 =	vlt.s32 v18, v4;
	(xrf0) =	vadd.scan.msk.s32 $0xffff, v21;
	v10 =	vmovc v18  }
0x5b: {  	v19 =	vsel vm14, $0xFFFFFFFF, v0;
	v18 =	vmpcnt.ones.xlane vm10;
	vm12 =	vlt.s32 v25, v4;
	(xrf0) =	vadd.scan.msk.s32 $0xffff, v16;
	v11 =	vmovc v25  }
0x5c: {  	v20 =	vsel vm11, $0xFFFFFFFF, v0;
	v16 =	vsel vm11, $0x1, v0;
	vm13 =	vlt.s32 v9, v4;
	[tilespmem:v15+s18+$0x0] =	vst.idx.msk vm5, v6;
	v6 =	vmovc v23  }
0x5d: {  	v22 =	vsel vm3, $0x1, v0;
	v15 =	vsel vm13, $0x1, v0;
	v21 =	vmpcnt.ones.xlane vm13;
	v25, _, _ =	vpop (xrf0);
	(xrf0) =	vadd.scan.msk.s32 $0xffff, v16  }
0x5e: {  	v26 =	vsel vm13, $0xFFFFFFFF, v0;
	v16 =	vsel vm12, $0xFFFFFFFF, v0;
	(xrf0) =	vadd.scan.msk.s32 $0xffff, v22;
	[tilespmem:v14+s18+$0x0] =	vst.idx.msk vm4, v5;
	v5 =	vmovc v24  }
0x5f: {  	v22 =	vsel vm12, $0x1, v0;
	v28 =	vadd.s32 v27, v21;
	v21 =	vmpcnt.ones.xlane vm11;
	(xrf0) =	vadd.scan.msk.s32 $0xffff, v15  }
.Ltmp3:
0x60: {  	v23 =	vmpcnt.ones.xlane vm14;
	v15 =	vsel vm9, $0x1, v0;
	v30 =	vadd.s32 v28, v18;
	(xrf0) =	vadd.scan.msk.s32 $0xffff, v22;
	v14, _, _ =	vpop (xrf0);
	(pc) =	sbr.rel @p0 .LBB2_4-.Ltmp3, $4  }
0x61: {  	v22 =	vmpcnt.ones.xlane vm9;
	v29 =	vadd.s32 v20, v30;
	v24 =	vadd.s32 v30, v21;
	v18, _, _ =	vpop (xrf0)  }
0x62: {  	v21 =	vadd.s32 v26, v27;
	v26 =	vmpcnt.ones.xlane vm12;
	v19 =	vadd.s32 v19, v24;
	(xrf0) =	vadd.scan.msk.s32 $0xffff, v15  }
0x63: {  	v22 =	vadd.s32 v13, v22;
	v15 =	vadd.s32 v17, v28;
	v20 =	vadd.s32 v18, v19;
	v17, _, _ =	vpop (xrf0)  }
0x64: {  	s22 =	sadd.s32 $0x40, s22;
	s23 =	sadd.s32 $0x40, s23;
	v18 =	vadd.s32 v25, v15;
	v19 =	vadd.s32 v22, v26;
	v15 =	vadd.s32 v17, v29;
	v17, _, _ =	vpop (xrf0)  }
0x65: {  	v23 =	vxor.u32 $0x80000000, v4  }
0x66: {  	(xrf0) =	vmax.scan.msk.u32 $0xffff, v23;
	_ =	sdelay $0x2  }
0x67: {  	v57, _, _ =	vpop (xrf0)  }
0x68: {  	v24, _, _ =	vpop (xrf0)  }
0x69: {  	v25, _, _ =	vpop (xrf0)  }
0x6a: {  	v26, _, _ =	vpop (xrf0)  }
0x6b: {  	(v2sf) =	vpush v26, $0xF;
	_ =	sdelay $0x3  }
0x6c: {  	(v2sf) =	vpush v4, $0xD  }
0x6d: {  	(v2sf) =	vpush v4, $0xC;
	_ =	sdelay $0x1  }
0x6e: {  	(v2sf) =	vpush v4, $0xE  }
0x6f: {  	(v2sf) =	vpush v4, $0xF  }
0x70: {  	(v2sf) =	vpush v4, $0x9  }
0x71: {  	(v2sf) =	vpush v4, $0x8  }
0x72: {  	(v2sf) =	vpush v4, $0xA  }
0x73: {  	(v2sf) =	vpush v4, $0xB  }
0x74: {  	(v2sf) =	vpush v4, $0x0  }
0x75: {  	(v2sf) =	vpush v4, $0x1  }
0x76: {  	(v2sf) =	vpush v4, $0x2;
	s3 =	spop (v2sf)  }
0x77: {  	(v2sf) =	vpush v4, $0x3;
	s10 =	sxor.u32 $0x80000000, s3  }
0x78: {  	(v2sf) =	vpush v4, $0x4;
	s0 =	smulhi.u32 $0x66666667, s10;
	s1 =	sshra.s32 s10, $0x1F  }
0x79: {  	(v2sf) =	vpush v4, $0x5;
	s6 =	smul.u32 $0x66666667, s1  }
0x7a: {  	s28 =	spop (v2sf);
	(v2sf) =	vpush v4, $0x6  }
0x7b: {  	s29 =	spop (v2sf);
	(v2sf) =	vpush v4, $0x7;
	s6 =	sadd.s32 s6, s0  }
0x7c: {  	s15 =	sshrl.u32 s6, $0x1F;
	s6 =	sshra.s32 s6, $0x2  }
0x7d: {  	s23 =	spop (v2sf);
	s21 =	sadd.s32 s15, s6  }
0x7e: {  	p1 =	sgt.s32 s3, $0xFFFFFFFF;
	s24 =	spop (v2sf);
	s16 =	smul.u32 $0xFFFFFFF6, s21  }
0x7f: {  	v16 =	vadd.s32 v16, v22;
	p0 =	slt.s32 s10, $0x1;
	s25 =	ssub.s32 $0x0, s10;
	s22 =	spop (v2sf)  }
0x80: {  	v58 =	vsel vm9, $0xFFFFFFFF, v0;
	vm3 =	vmmov vm3;
	vm4 =	vmmov vm15;
	p0 =	por p1, p0;
	s1 =	spop (v2sf);
	p6 =	sne.s32 s16, s25  }
0x81: {  	[tilespmem:v20+s17+$0x0] =	vst.idx.msk vm14, v12;
	v21 =	vadd.s32 v57, v21;
	v59 =	vmpcnt.ones.xlane vm3;
	v61 =	vsel vm3, $0xFFFFFFFF, v0;
	s0 =	spop (v2sf);
	p0 =	por !p0, !p6  }
0x82: {  	v13 =	vadd.s32 v58, v13;
	v16 =	vadd.s32 v24, v16;
	v12 =	vadd.s32 v61, v19;
	s3 =	simm.s32 $0x1;
	s26 =	spop (v2sf);
	p0 =	por !p0, !p0  }
0x83: {  	v60 =	vsel vm4, $0xFFFFFFFF, v0;
	v62 =	vadd.s32 v19, v59;
	v12 =	vadd.s32 v17, v12;
	s6 =	spop (v2sf);
	s3 =	simm.s32 @!p0 $0x0  }
0x84: {  	[tilespmem:v18+s17+$0x0] =	vst.idx.msk vm10, v8;
	v13 =	vadd.s32 v25, v13;
	v63 =	vadd.s32 v60, v62;
	s15 =	spop (v2sf);
	s21 =	ssub.s32 s21, s3  }
0x85: {  	[tilespmem:v15+s17+$0x0] =	vst.idx.msk vm11, v10;
	v8 =	vadd.s32 v14, v63;
	s16 =	spop (v2sf);
	p0 =	slt.s32 s21, $0x1  }
.Ltmp4:
0x86: {  	[tilespmem:v21+s17+$0x0] =	vst.idx.msk vm13, v9;
	s10 =	spop (v2sf);
	(pc) =	sbr.rel @p0 .LBB2_28-.Ltmp4, $4  }
0x87: {  	[tilespmem:v16+s18+$0x0] =	vst.idx.msk vm12, v11;
	s31 =	spop (v2sf)  }
0x88: {  	[tilespmem:v12+s18+$0x0] =	vst.idx.msk vm3, v6;
	s30 =	spop (v2sf)  }
0x89: {  	[tilespmem:v13+s18+$0x0] =	vst.idx.msk vm9, v7;
	s25 =	spop (v2sf)  }
0x8a: {  	[tilespmem:v8+s18+$0x0] =	vst.idx.msk vm15, v5;
	s3 =	spop (v2sf)  }
0x8b: {  	s4 =	smulhi.u32 $0x66666667, s28  }
0x8c: {  	s5 =	smulhi.u32 $0x66666667, s29  }
0x8d: {  	s7 =	smulhi.u32 $0x66666667, s23  }
0x8e: {  	s11 =	sshra.s32 s28, $0x1F;
	s8 =	smulhi.u32 $0x66666667, s24  }
0x8f: {  	s12 =	sshra.s32 s29, $0x1F;
	s28 =	smul.u32 $0x66666667, s11  }
0x90: {  	s13 =	sshra.s32 s23, $0x1F;
	s29 =	smul.u32 $0x66666667, s12  }
0x91: {  	s14 =	sshra.s32 s24, $0x1F;
	s23 =	smul.u32 $0x66666667, s13  }
0x92: {  	s9 =	smul.u32 $0x66666667, s14  }
0x93: {  	s20 =	sshra.s32 s22, $0x1F;
	s11 =	smulhi.u32 $0x66666667, s22  }
0x94: {  	s12 =	smul.u32 $0x66666667, s20  }
0x95: {  	s13 =	smulhi.u32 $0x66666667, s1  }
0x96: {  	s24 =	sshra.s32 s0, $0x1F;
	s20 =	smulhi.u32 $0x66666667, s0  }
0x97: {  	s22 =	sshra.s32 s1, $0x1F;
	s14 =	smul.u32 $0x66666667, s24  }
0x98: {  	s1 =	smul.u32 $0x66666667, s22  }
0x99: {  	s22 =	smulhi.u32 $0x66666667, s26;
	s26 =	sshra.s32 s26, $0x1F  }
0x9a: {  	s26 =	smul.u32 $0x66666667, s26  }
0x9b: {  	s0 =	sshra.s32 s6, $0x1F;
	s24 =	sadd.s32 s28, s4;
	s4 =	smulhi.u32 $0x66666667, s6  }
0x9c: {  	s28 =	sadd.s32 s29, s5;
	s5 =	smul.u32 $0x66666667, s0;
	s23 =	sadd.s32 s23, s7  }
0x9d: {  	s7 =	smulhi.u32 $0x66666667, s15;
	s29 =	sshra.s32 s15, $0x1F;
	s8 =	sadd.s32 s9, s8  }
0x9e: {  	s0 =	sadd.s32 s12, s11;
	s11 =	smulhi.u32 $0x66666667, s16;
	s6 =	sshrl.u32 s24, $0x1F  }
0x9f: {  	s15 =	sshrl.u32 s28, $0x1F;
	s9 =	smul.u32 $0x66666667, s29;
	s29 =	sshra.s32 s16, $0x1F  }
0xa0: {  	s16 =	sshrl.u32 s23, $0x1F;
	s1 =	sadd.s32 s1, s13;
	s13 =	smulhi.u32 $0x66666667, s10  }
0xa1: {  	s12 =	smul.u32 $0x66666667, s29;
	s29 =	sadd.s32 s14, s20;
	s20 =	sshra.s32 s10, $0x1F  }
0xa2: {  	s14 =	sshrl.u32 s8, $0x1F;
	s4 =	sadd.s32 s5, s4;
	s5 =	smulhi.u32 $0x66666667, s3  }
0xa3: {  	s26 =	sadd.s32 s26, s22;
	s22 =	sshra.s32 s3, $0x1F;
	s10 =	smul.u32 $0x66666667, s20  }
0xa4: {  	s20 =	sshrl.u32 s0, $0x1F;
	s7 =	sadd.s32 s9, s7;
	s3 =	smul.u32 $0x66666667, s22  }
0xa5: {  	vm3 =	vcmask $0x300;
	vm4 =	vcmask $0x704;
	vm12 =	vcmask $0x2B28;
	s9 =	sadd.s32 s12, s11;
	s11 =	smulhi.u32 $0x66666667, s31;
	s31 =	sshra.s32 s31, $0x1F  }
0xa6: {  	vm5 =	vcmask $0x1F1C;
	vm13 =	vcmask $0x3330;
	v6 =	vmov s15;
	s15 =	sshrl.u32 s4, $0x1F;
	s12 =	smul.u32 $0x66666667, s31;
	s31 =	sadd.s32 s3, s5  }
0xa7: {  	vm14 =	vcmask $0x3734;
	s22 =	sshrl.u32 s1, $0x1F;
	v6 =	vsel vm0, s6, v6;
	v7 =	vmov s15;
	s5 =	sadd.s32 s10, s13;
	s13 =	sshra.s32 s31, $0x1F  }
0xa8: {  	s6 =	smulhi.u32 $0x66666667, s30;
	s1 =	sshra.s32 s1, $0x2;
	v6 =	vsel vm1, s16, v6;
	v8 =	vmov s22;
	v5 =	vmov s13;
	s13 =	sshra.s32 s4, $0x2  }
0xa9: {  	s30 =	sshra.s32 s30, $0x1F;
	s0 =	sshra.s32 s0, $0x2;
	v9 =	vmov s1;
	v7 =	vnsel vm3, $0x0, v7;
	s4 =	sshra.s32 s4, $0x1F;
	v5 =	vsel vm3, s13, v5  }
0xaa: {  	s15 =	sshra.s32 s7, $0x2;
	s3 =	sshrl.u32 s29, $0x1F;
	s10 =	sshrl.u32 s7, $0x1F;
	v6 =	vsel vm2, s14, v6;
	v8 =	vsel vm0, s20, v8;
	v5 =	vsel vm4, s4, v5  }
0xab: {  	s16 =	sshrl.u32 s9, $0x1F;
	s7 =	sshra.s32 s7, $0x1F;
	s14 =	sshra.s32 s28, $0x2;
	v9 =	vsel vm0, s0, v9;
	vm3 =	vcmask $0xF0C;
	v5 =	vsel vm0, s15, v5  }
0xac: {  	v7 =	vsel vm0, s10, v7;
	v8 =	vsel vm1, s3, v8;
	s11 =	sadd.s32 s12, s11;
	s12 =	sshrl.u32 s26, $0x1F;
	s15 =	sshra.s32 s9, $0x2;
	v5 =	vsel vm3, s7, v5  }
0xad: {  	v62 =	vmov s14;
	s13 =	smul.u32 $0x66666667, s30;
	s30 =	sshra.s32 s25, $0x1F;
	s9 =	sshra.s32 s9, $0x1F;
	vm3 =	vcmask $0x1714;
	v5 =	vsel vm1, s15, v5  }
0xae: {  	v7 =	vsel vm1, s16, v7;
	s16 =	sshrl.u32 s5, $0x1F;
	v8 =	vsel vm2, s12, v8;
	s22 =	smul.u32 $0x66666667, s30;
	s30 =	sshra.s32 s5, $0x2;
	v5 =	vsel vm3, s9, v5  }
0xaf: {  	s10 =	smulhi.u32 $0x66666667, s25;
	v7 =	vsel vm2, s16, v7;
	s16 =	sshra.s32 s24, $0x2;
	s5 =	sshra.s32 s5, $0x1F;
	v6 =	vcombine.low v8, v6;
	v5 =	vsel vm2, s30, v5  }
0xb0: {  	s25 =	sshrl.u32 s11, $0x1F;
	v8 =	vsel vm0, s16, v62;
	s4 =	sadd.s32 s13, s6;
	s13 =	sshra.s32 s11, $0x2;
	vm3 =	vcmask $0x2320;
	v5 =	vsel vm5, s5, v5  }
0xb1: {  	s10 =	sadd.s32 s22, s10;
	s22 =	sshra.s32 s23, $0x2;
	s15 =	sshra.s32 s11, $0x1F;
	v7 =	vsel vm3, s25, v7;
	v5 =	vsel vm3, s13, v5;
	vm3 =	vcmask $0x2724  }
0xb2: {  	s20 =	sshra.s32 s4, $0x2;
	s23 =	sshra.s32 s29, $0x2;
	v6 =	vperm.xlane v6, v1;
	v8 =	vsel vm1, s22, v8;
	v5 =	vsel vm3, s15, v5  }
0xb3: {  	s26 =	sshra.s32 s26, $0x2;
	s24 =	sshra.s32 s4, $0x1F;
	v9 =	vsel vm1, s23, v9;
	s25 =	sshra.s32 s8, $0x2;
	vm3 =	vcmask $0x2F2C;
	v5 =	vsel vm12, s20, v5  }
0xb4: {  	v63 =	vld [tilespmem:$0x1FFF0];
	s6 =	sshrl.u32 s4, $0x1F;
	s28 =	sshra.s32 s10, $0x2;
	v9 =	vsel vm2, s26, v9;
	v8 =	vsel vm2, s25, v8;
	v5 =	vsel vm3, s24, v5  }
0xb5: {  	s12 =	sshrl.u32 s10, $0x1F;
	s30 =	sshra.s32 s10, $0x1F;
	v7 =	vsel vm12, s6, v7;
	v8 =	vcombine.low v9, v8;
	v5 =	vsel vm13, s28, v5  }
0xb6: {  	s29 =	sshrl.u32 s31, $0x1F;
	s31 =	sshra.s32 s31, $0x2;
	v7 =	vsel vm13, s12, v7;
	vm3 =	vcmask $0x3B38;
	v5 =	vsel vm14, s30, v5  }
0xb7: {  	v8 =	vperm.xlane v8, v1;
	v7 =	vsel vm3, s29, v7;
	v5 =	vsel vm3, s31, v5  }
0xb8: {  	v7 =	vperm.xlane v7, v3;
	v5 =	vperm.xlane v5, v3  }
0xb9: {  	s23 =	sadd.s32 $0xF, s21;
	vm3 =	vnez.u8 v63  }
0xba: {  	s21 =	sshrl.u32 s23, $0x4;
	v6 =	vsel vm3, v7, v6;
	v5 =	vsel vm3, v5, v8  }
0xbb: {  	s22 =	sand.u32 $0x7FFFFFC, s21;
	v5 =	vadd.s32 v6, v5  }
0xbc: {  	p0 =	seq.s32 s22, $0x0;
	v6 =	vmul.u32 $0xFFFFFFF6, v5  }
.Ltmp5:
0xbd: {  	v7 =	vsub.s32 $0x0, v4;
	(pc) =	sbr.rel @p0 .LBB2_9-.Ltmp5, $4  }
0xbe: {  	vm3 =	vlt.s32 v4, $0x1;
	vm15 =	vne.s32 v6, v7  }
0xbf: {  	vm3 =	vmand vm3, vm15  }
0xc0: {  	v6 =	vsel vm3, $0xFFFFFFFF, v0  }
0xc1: {  	v5 =	vadd.s32 v6, v5  }
0xc2: {  	s0 =	simm.s32 $0x80A0  }
0xc3: {  	v6 =	vld [tilespmem:s0+$0x10]  }
0xc4: {  	p2 =	sgt.u32 s22, $0x4;
	v9 =	vld [tilespmem:s0+$0x0]  }
.Ltmp6:
0xc5: {  	_ = 	snop;
	(pc) =	sbr.rel @!p2 .LBB2_8-.Ltmp6, $4  }
0xc6: {  	s1 =	simm.s32 $0x0;
	s3 =	simm.s32 $0x30  }
0xc7: {  	vm10 =	vgt.s32 v4, $0x659;
	s31 =	simm.s32 $0x20;
	v7 =	vor.u32 s1, v2;
	v10 =	vor.u32 s3, v2  }
0xc8: {  	p0 =	por $0x0, $0x0;
	v8 =	vld [tilespmem:s0+$0xFFFFFFF0];
	v16 =	vor.u32 s31, v2;
	vm4 =	vlt.s32 v10, v5;
	v6 =	vsel vm10, v6, v10  }
0xc9: {  	p1 =	por $0x0, $0x0;
	s1 =	simm.s32 $0x10;
	vm9 =	vlt.s32 v7, v5;
	v10 =	vld [tilespmem:s0+$0xFFFFFFE0];
	v18 =	vsel vm10, v9, v16;
	s0 =	simm.s32 $0x40;
	v6 =	vnsel vm4, $0x0, v6  }
0xca: {  	_ =	sdelay $0x1  }
0xcb: {  	v9 =	vor.u32 s1, v2;
	vm3 =	vlt.s32 v16, v5;
	s29 =	simm.s32 $0x80E0  }
0xcc: {  	v11 =	vnsel vm3, $0x0, v18;
	v14 =	vld [tilespmem:s29+$0x10];
	vm6 =	vlt.s32 v9, v5;
	v8 =	vsel vm10, v8, v9  }
0xcd: {  	p2 =	sgt.u32 s22, $0x8;
	v15 =	vld [tilespmem:s29+$0x0];
	v17 =	vnsel vm6, $0x0, v8  }
.Ltmp7:
0xce: {  	v13 =	vor.u32 s0, v2;
	vm5 =	vmmov vm4;
	v12 =	vld.idx.msk [tilespmem:v6+s17+$0x0], $0xffff;
	(pc) =	sbr.rel @!p2 .LBB2_20-.Ltmp7, $4  }
0xcf: {  	vm11 =	vmmov vm9;
	s30 =	simm.s32 $0x70;
	s31 =	simm.s32 $0x60;
	vm12 =	vmmov vm3;
	v7 =	vsel vm10, v10, v7;
	v8 =	vld [tilespmem:s29+$0xFFFFFFF0]  }
0xd0: {  	v16 =	vor.u32 s31, v2;
	v10 =	vld [tilespmem:s29+$0xFFFFFFE0];
	v9 =	vnsel vm9, $0x0, v7;
	v7 =	vor.u32 s30, v2  }
0xd1: {  	vm3 =	vmmov vm5;
	vm4 =	vlt.s32 v7, v5;
	v6 =	vsel vm10, v14, v7;
	v11 =	vld.idx.msk [tilespmem:v11+s17+$0x0], $0xffff  }
0xd2: {  	s1 =	simm.s32 $0x50;
	s0 =	simm.s32 $0x80;
	p0 =	por $0x1, $0x1;
	vm9 =	vlt.s32 v13, v5;
	v18 =	vsel vm10, v15, v16;
	v6 =	vnsel vm4, $0x0, v6;
	v14 =	vld.idx.msk [tilespmem:v17+s17+$0x0], $0xffff  }
0xd3: {  	_ =	sdelay $0x2  }
0xd4: {  	v7 =	vor.u32 s0, v2;
	v15 =	vor.u32 s1, v2;
	vm8 =	vlt.s32 v16, v5  }
0xd5: {  	vm7 =	vmmov vm4;
	v16 =	vld.idx.msk [tilespmem:v9+s17+$0x0], $0xffff;
	s24 =	simm.s32 $0x8120;
	v20 =	vnsel vm3, $0x0, v12;
	vm13 =	vmmov vm12  }
0xd6: {  	v8 =	vsel vm10, v8, v15;
	v18 =	vnsel vm8, $0x0, v18;
	v19 =	vld [tilespmem:s24+$0x10];
	vm5 =	vlt.s32 v15, v5  }
0xd7: {  	vm15 =	vmmov vm11;
	vm14 =	vmmov vm6;
	p2 =	sgt.u32 s22, $0xC;
	v21 =	vld [tilespmem:s24+$0x0];
	v22 =	vnsel vm5, $0x0, v8  }
.Ltmp8:
0xd8: {  	vm11 =	vmmov vm9;
	s30 =	simm.s32 $0xB0;
	v12 =	vld.idx.msk [tilespmem:v6+s17+$0x0], $0xffff;
	vm12 =	vmmov vm8;
	v9 =	vsel vm10, v10, v13;
	(pc) =	sbr.rel @!p2 .LBB2_22-.Ltmp8, $4  }
0xd9: {  	v8 =	vld [tilespmem:s24+$0xFFFFFFF0];
	v9 =	vnsel vm9, $0x0, v9;
	v13 =	vnsel vm13, $0x0, v11;
	v11 =	vor.u32 s30, v2  }
0xda: {  	s31 =	simm.s32 $0xA0;
	v10 =	vld [tilespmem:s24+$0xFFFFFFE0];
	vm9 =	vlt.s32 v7, v5;
	v15 =	vnsel vm14, $0x0, v14;
	vm4 =	vlt.s32 v11, v5  }
0xdb: {  	s0 =	simm.s32 $0xC;
	v17 =	vnsel vm15, $0x0, v16;
	v16 =	vor.u32 s31, v2;
	v6 =	vsel vm10, v19, v11;
	v11 =	vld.idx.msk [tilespmem:v18+s17+$0x0], $0xffff  }
0xdc: {  	s1 =	simm.s32 $0x90;
	s6 =	simm.s32 $0xC0;
	p1 =	por $0x1, $0x1;
	[tilespmem:v20+s2+$0x0] =	vst.idx.msk vm3, v0;
	vm3 =	vmmov vm7;
	v18 =	vsel vm10, v21, v16;
	v6 =	vnsel vm4, $0x0, v6;
	v14 =	vld.idx.msk [tilespmem:v22+s17+$0x0], $0xffff  }
.LBB2_23:
0xdd: {  	v19 =	vor.u32 s6, v2  }
0xde: {  	s0 =	sadd.s32 $0x4, s0;
	v20 =	vor.u32 s1, v2;
	vm7 =	vlt.s32 v16, v5;
	v16 =	vld.idx.msk [tilespmem:v9+s17+$0x0], $0xffff;
	vm6 =	vmmov vm4  }
0xdf: {  	s24 =	sadd.s32 $0x40, s24;
	p2 =	slt.u32 s0, s22;
	v10 =	vsel vm10, v10, v7;
	v8 =	vsel vm10, v8, v20;
	v18 =	vnsel vm7, $0x0, v18;
	[tilespmem:v15+s2+$0x0] =	vst.idx.msk vm14, v0  }
0xe0: {  	v7 =	vmovc v19;
	vm14 =	vmmov vm5;
	vm5 =	vlt.s32 v20, v5;
	v21 =	vld [tilespmem:s24+$0x10];
	v9 =	vnsel vm9, $0x0, v10;
	[tilespmem:v17+s2+$0x0] =	vst.idx.msk vm15, v0  }
0xe1: {  	v20 =	vnsel vm5, $0x0, v8;
	v22 =	vnsel vm3, $0x0, v12;
	v19 =	vld [tilespmem:s24+$0x0];
	[tilespmem:v13+s2+$0x0] =	vst.idx.msk vm13, v0;
	vm13 =	vmmov vm12  }
.Ltmp9:
0xe2: {  	vm15 =	vmmov vm11;
	vm11 =	vmmov vm9;
	vm12 =	vmmov vm7;
	v8 =	vld [tilespmem:s24+$0xFFFFFFF0];
	(pc) =	sbr.rel @p2 .LBB2_23-.Ltmp9, $4  }
0xe3: {  	s1 =	sadd.s32 $0x30, s6;
	vm9 =	vlt.s32 v7, v5;
	v15 =	vnsel vm14, $0x0, v14;
	v13 =	vnsel vm13, $0x0, v11;
	v10 =	vld [tilespmem:s24+$0xFFFFFFE0]  }
0xe4: {  	s3 =	sadd.s32 $0x20, s6;
	v11 =	vor.u32 s1, v2;
	v17 =	vnsel vm15, $0x0, v16;
	v12 =	vld.idx.msk [tilespmem:v6+s17+$0x0], $0xffff  }
0xe5: {  	v16 =	vor.u32 s3, v2;
	vm4 =	vlt.s32 v11, v5;
	v6 =	vsel vm10, v21, v11;
	v11 =	vld.idx.msk [tilespmem:v18+s17+$0x0], $0xffff  }
0xe6: {  	s1 =	sadd.s32 $0x10, s6;
	s6 =	sadd.s32 $0x40, s6;
	v18 =	vsel vm10, v19, v16;
	v6 =	vnsel vm4, $0x0, v6;
	v14 =	vld.idx.msk [tilespmem:v20+s17+$0x0], $0xffff;
	[tilespmem:v22+s2+$0x0] =	vst.idx.msk vm3, v0;
	vm3 =	vmmov vm6  }
0xe7: {  	vm6 =	vmmov vm5  }
.LBB2_25:
0xe8: {  	_ = 	snop  }
0xe9: {  	v7 =	vsel vm10, v10, v7  }
0xea: {  	v19 =	vor.u32 s1, v2;
	vm7 =	vlt.s32 v16, v5;
	v7 =	vnsel vm9, $0x0, v7  }
0xeb: {  	v8 =	vsel vm10, v8, v19;
	vm5 =	vlt.s32 v19, v5;
	v62 =	vnsel vm7, $0x0, v18  }
0xec: {  	v9 =	vld.idx.msk @p0 [tilespmem:v9+s17+$0x0], $0xffff;
	v8 =	vnsel vm5, $0x0, v8  }
0xed: {  	vm4 =	vmmov vm4;
	v6 =	vld.idx.msk [tilespmem:v6+s17+$0x0], $0xffff  }
0xee: {  	vm6 =	vmmov @p0 vm6;
	vm8 =	vmmov @p0 vm12;
	v12 =	vnsel @p0 vm3, $0x0, v12  }
0xef: {  	[tilespmem:v15+s2+$0x0] =	vst.idx.msk @p1 vm14, v0;
	vm14 =	vmmov vm9;
	v11 =	vnsel @p0 vm8, $0x0, v11;
	vm8 =	vmmov @p0 vm8;
	v7 =	vld.idx.msk [tilespmem:v7+s17+$0x0], $0xffff  }
0xf0: {  	v14 =	vnsel @p0 vm6, $0x0, v14;
	vm6 =	vmmov @p0 vm6;
	v11 =	vpsel p0, v11, v0;
	v10 =	vld.idx.msk [tilespmem:v62+s17+$0x0], $0xffff  }
0xf1: {  	vm10 =	vmmov @p0 vm11;
	vm4 =	vmmov vm4;
	v14 =	vpsel p0, v14, v0;
	v8 =	vld.idx.msk [tilespmem:v8+s17+$0x0], $0xffff  }
0xf2: {  	[tilespmem:v17+s2+$0x0] =	vst.idx.msk @p1 vm15, v0;
	v9 =	vnsel @p0 vm10, $0x0, v9;
	vm10 =	vmmov @p0 vm10;
	v6 =	vnsel vm4, $0x0, v6  }
0xf3: {  	vm7 =	vmmov vm7;
	v9 =	vpsel p0, v9, v0;
	[tilespmem:v12+s2+$0x0] =	vst.idx.msk @p0 vm3, v0;
	vm3 =	vmmov vm14  }
0xf4: {  	[tilespmem:v13+s2+$0x0] =	vst.idx.msk @p1 vm13, v0;
	vm15 =	vmmov vm7;
	v7 =	vnsel vm3, $0x0, v7  }
0xf5: {  	vm5 =	vmmov vm5;
	[tilespmem:v11+s2+$0x0] =	vst.idx.msk @p0 vm8, v0;
	v63 =	vnsel vm15, $0x0, v10  }
0xf6: {  	[tilespmem:v14+s2+$0x0] =	vst.idx.msk @p0 vm6, v0;
	v8 =	vnsel vm5, $0x0, v8  }
0xf7: {  	[tilespmem:v6+s2+$0x0] =	vst.idx.msk vm4, v0  }
0xf8: {  	[tilespmem:v9+s2+$0x0] =	vst.idx.msk @p0 vm10, v0  }
0xf9: {  	[tilespmem:v7+s2+$0x0] =	vst.idx.msk vm14, v0  }
0xfa: {  	[tilespmem:v63+s2+$0x0] =	vst.idx.msk vm7, v0  }
0xfb: {  	[tilespmem:v8+s2+$0x0] =	vst.idx.msk vm5, v0  }
.LBB2_9:
0xfc: {  	p0 =	sne.s32 s22, s21  }
.Ltmp10:
0xfd: {  	_ = 	snop;
	(pc) =	sbr.rel @!p0 .LBB2_10-.Ltmp10, $1  }
0xfe: {  	_ =	sdelay $0x3  }
0xff: {  	s0 =	sshll.u32 s23, $0x2  }
0x100: {  	s0 =	sshra.s32 s0, $0x2  }
0x101: {  	s0 =	sand.u32 $0xFFFFFFC0, s0  }
0x102: {  	s1 =	sand.u32 $0x7FFFFFC0, s23;
	s0 =	sadd.s32 $0x8080, s0  }
.LBB2_27:
0x103: {  	v6 =	vld [tilespmem:s0+$0x0];
	_ =	sdelay $0x3  }
0x104: {  	vm3 =	vgt.s32 v4, $0x659;
	v7 =	vor.u32 s1, v2  }
0x105: {  	vm4 =	vlt.s32 v7, v5;
	v6 =	vsel vm3, v6, v7  }
0x106: {  	v6 =	vnsel vm4, $0x0, v6;
	_ =	sdelay $0x4  }
0x107: {  	v6 =	vld.idx.msk [tilespmem:v6+s17+$0x0], $0xffff;
	_ =	sdelay $0x3  }
0x108: {  	s22 =	sadd.s32 $0x1, s22  }
0x109: {  	p0 =	slt.u32 s22, s21;
	v6 =	vnsel vm4, $0x0, v6  }
.Ltmp11:
0x10a: {  	_ = 	snop;
	(pc) =	sbr.rel @p0 .LBB2_27-.Ltmp11, $2  }
0x10b: {  	_ =	sdelay $0x2  }
0x10c: {  	s0 =	sadd.s32 $0x10, s0;
	s1 =	sadd.s32 $0x10, s1;
	[tilespmem:v6+s2+$0x0] =	vst.idx.msk vm4, v0  }
.LBB2_10:
0x10d: {  	s0 =	simm.s32 $0x20  }
0x10e: {  	v12 =	vld [tilespmem:s0+$0xFFFFFFE0]  }
0x10f: {  	v13 =	vld [tilespmem:s0+$0x10]  }
0x110: {  	v14 =	vld [tilespmem:s0+$0x0]  }
0x111: {  	v4 =	vld [tilespmem:s0+$0xFFFFFFF0];
	_ =	sdelay $0x2  }
0x112: {  	v7 =	vimm.s32 $0x0;
	vm3 =	vgt.s32 v12, $0x0  }
0x113: {  	vm4 =	vgt.s32 v13, $0x0;
	vm5 =	vgt.s32 v14, $0x0;
	v5 =	vsel vm3, $0x1, v0  }
0x114: {  	vm6 =	vgt.s32 v4, $0x0;
	v6 =	vsel vm4, $0x1, v0;
	(xrf0) =	vadd.scan.msk.s32 $0xffff, v5;
	v5 =	vmpcnt.ones.xlane vm3  }
0x115: {  	v8 =	vsel vm5, $0x1, v0;
	v9 =	vmpcnt.ones.xlane vm6;
	vm9 =	vmmov vm4;
	(xrf0) =	vadd.scan.msk.s32 $0xffff, v6  }
0x116: {  	vm4 =	vmmov vm3;
	(xrf0) =	vadd.scan.msk.s32 $0xffff, v8;
	v10 =	vadd.s32 v7, v5;
	v8 =	vmpcnt.ones.xlane vm5  }
0x117: {  	s21 =	simm.s32 $0x60;
	v15 =	vsel vm4, $0xFFFFFFFF, v0;
	v9 =	vadd.s32 v10, v9  }
0x118: {  	v6 =	vsel vm6, $0x1, v0;
	v5 =	vld [tilespmem:s21+$0xFFFFFFE0];
	v16 =	vadd.s32 v9, v8;
	v8 =	vsel vm9, $0xFFFFFFFF, v0  }
0x119: {  	v15 =	vadd.s32 v15, v7;
	v7 =	vld [tilespmem:s21+$0x0];
	(xrf0) =	vadd.scan.msk.s32 $0xffff, v6  }
0x11a: {  	v6 =	vld [tilespmem:s21+$0x10]  }
0x11b: {  	vm7 =	vmmov vm5;
	v17 =	vadd.s32 v8, v16;
	v8, _, _ =	vpop (xrf0)  }
0x11c: {  	v18 =	vsel vm7, $0xFFFFFFFF, v0;
	vm3 =	vmmov vm6;
	v15 =	vadd.s32 v8, v15;
	v19, _, _ =	vpop (xrf0)  }
0x11d: {  	v58 =	vsel vm3, $0xFFFFFFFF, v0;
	v9 =	vadd.s32 v18, v9;
	v8 =	vld [tilespmem:s21+$0xFFFFFFF0];
	v17 =	vadd.s32 v19, v17;
	v59, _, _ =	vpop (xrf0)  }
0x11e: {  	v11 =	vmpcnt.ones.xlane vm9;
	v10 =	vadd.s32 v58, v10;
	v60 =	vadd.s32 v59, v9  }
0x11f: {  	vm6 =	vgt.s32 v5, $0x0;
	vm5 =	vgt.s32 v7, $0x0;
	vm11 =	vgt.s32 v6, $0x0;
	v61, _, _ =	vpop (xrf0)  }
0x120: {  	v62 =	vsel vm6, $0x1, v0;
	v63 =	vsel vm11, $0x1, v0;
	v10 =	vadd.s32 v61, v10  }
0x121: {  	(xrf0) =	vadd.scan.msk.s32 $0xffff, v62;
	v9 =	vadd.s32 v16, v11;
	v11 =	vmpcnt.ones.xlane vm6;
	[tilespmem:v15+s19+$0x0] =	vst.idx.msk vm4, v12  }
0x122: {  	s8 =	simm.s32 $0x80;
	(xrf0) =	vadd.scan.msk.s32 $0xffff, v63;
	vm4 =	vgt.s32 v8, $0x0;
	v15 =	vsel vm5, $0x1, v0;
	[tilespmem:v17+s19+$0x0] =	vst.idx.msk vm9, v13  }
0x123: {  	s9 =	simm.s32 $0x400;
	s11 =	simm.s32 $0x1;
	s0 =	simm.s32 $0x4;
	v13 =	vsel vm4, $0x1, v0;
	v12 =	vmpcnt.ones.xlane vm4;
	(xrf0) =	vadd.scan.msk.s32 $0xffff, v15;
	[tilespmem:v60+s19+$0x0] =	vst.idx.msk vm7, v14  }
.LBB2_11:
0x124: {  	v11 =	vadd.s32 v9, v11;
	v14 =	vmpcnt.ones.xlane vm5  }
0x125: {  	s0 =	sadd.s32 $0x4, s0;
	(xrf0) =	vadd.scan.msk.s32 $0xffff, v13;
	[tilespmem:v10+s19+$0x0] =	vst.idx.msk vm3, v4;
	v4 =	vmovc v8;
	vm12 =	vmmov vm6;
	vm9 =	vmmov vm11  }
0x126: {  	s21 =	sadd.s32 $0x40, s21;
	vm10 =	vmmov vm5;
	p0 =	slt.u32 s0, $0x1FC;
	v10 =	vadd.s32 v11, v12;
	v17 =	vmpcnt.ones.xlane vm9  }
0x127: {  	v13 =	vsel vm12, $0xFFFFFFFF, v0;
	v15 =	vsel vm9, $0xFFFFFFFF, v0;
	v12 =	vld [tilespmem:s21+$0xFFFFFFE0];
	v14 =	vadd.s32 v10, v14  }
0x128: {  	v13 =	vadd.s32 v13, v9;
	v16 =	vld [tilespmem:s21+$0x10];
	v15 =	vadd.s32 v15, v14;
	v9 =	vadd.s32 v14, v17;
	v8, _, _ =	vpop (xrf0)  }
0x129: {  	vm3 =	vmmov vm4;
	v20 =	vsel vm10, $0xFFFFFFFF, v0;
	v14 =	vld [tilespmem:s21+$0x0];
	v13 =	vadd.s32 v8, v13;
	v18, _, _ =	vpop (xrf0)  }
0x12a: {  	v19 =	vsel vm3, $0xFFFFFFFF, v0;
	v20 =	vadd.s32 v20, v10;
	v8 =	vld [tilespmem:s21+$0xFFFFFFF0];
	v15 =	vadd.s32 v18, v15;
	v17, _, _ =	vpop (xrf0)  }
0x12b: {  	v11 =	vadd.s32 v19, v11;
	v17 =	vadd.s32 v17, v20;
	v10, _, _ =	vpop (xrf0)  }
.Ltmp12:
0x12c: {  	vm6 =	vgt.s32 v12, $0x0;
	v10 =	vadd.s32 v10, v11;
	(pc) =	sbr.rel @p0 .LBB2_11-.Ltmp12, $4  }
0x12d: {  	v18 =	vsel vm6, $0x1, v0;
	v11 =	vmpcnt.ones.xlane vm6;
	vm11 =	vgt.s32 v16, $0x0  }
0x12e: {  	vm5 =	vgt.s32 v14, $0x0;
	v19 =	vsel vm11, $0x1, v0;
	(xrf0) =	vadd.scan.msk.s32 $0xffff, v18;
	[tilespmem:v13+s19+$0x0] =	vst.idx.msk vm12, v5;
	v5 =	vmovc v12  }
0x12f: {  	vm4 =	vgt.s32 v8, $0x0;
	v18 =	vsel vm5, $0x1, v0;
	(xrf0) =	vadd.scan.msk.s32 $0xffff, v19;
	[tilespmem:v15+s19+$0x0] =	vst.idx.msk vm9, v6;
	v6 =	vmovc v16  }
0x130: {  	v13 =	vsel vm4, $0x1, v0;
	v12 =	vmpcnt.ones.xlane vm4;
	(xrf0) =	vadd.scan.msk.s32 $0xffff, v18;
	[tilespmem:v17+s19+$0x0] =	vst.idx.msk vm10, v7;
	v7 =	vmovc v14  }
0x131: {  	v11 =	vadd.s32 v9, v11;
	v14 =	vmpcnt.ones.xlane vm5;
	vm9 =	vmmov vm11  }
0x132: {  	v12 =	vadd.s32 v11, v12;
	v15 =	vmpcnt.ones.xlane vm9  }
0x133: {  	v14 =	vadd.s32 v12, v14  }
0x134: {  	v15 =	vadd.s32 v14, v15  }
0x135: {  	(xrf0) =	vadd.scan.msk.s32 $0xffff, v13;
	v57 =	vxor.u32 $0x80000000, v15  }
0x136: {  	(xrf0) =	vmax.scan.msk.u32 $0xffff, v57;
	_ =	sdelay $0x1  }
0x137: {  	v58, _, _ =	vpop (xrf0)  }
0x138: {  	v16, _, _ =	vpop (xrf0)  }
0x139: {  	v17, _, _ =	vpop (xrf0)  }
0x13a: {  	v18, _, _ =	vpop (xrf0)  }
0x13b: {  	v19, _, _ =	vpop (xrf0)  }
0x13c: {  	(v2sf) =	vpush v19, $0xF;
	_ =	sdelay $0xe  }
0x13d: {  	s0 =	spop (v2sf)  }
0x13e: {  	s0 =	sadd.s32 $0x8000000F, s0  }
0x13f: {  	s1 =	sand.u32 $0xF, s0  }
0x140: {  	s3 =	sshra.s32 s0, $0x1F;
	p0 =	slt.s32 s0, $0x1;
	p1 =	sne.s32 s1, $0x0  }
0x141: {  	s30 =	sshrl.u32 s3, $0x1C;
	p0 =	por !p0, !p1  }
0x142: {  	vm6 =	vmmov vm6;
	s1 =	simm.s32 $0x1;
	s0 =	sadd.s32 s30, s0;
	p0 =	por !p0, !p0  }
0x143: {  	vm15 =	vmmov vm5;
	v59 =	vsel vm6, $0xFFFFFFFF, v0;
	s0 =	sshra.s32 s0, $0x4;
	s1 =	simm.s32 @!p0 $0x0  }
0x144: {  	vm4 =	vmmov vm4;
	v20 =	vsel vm9, $0xFFFFFFFF, v0;
	v60 =	vadd.s32 v59, v9;
	s10 =	ssub.s32 s0, s1  }
0x145: {  	v61 =	vsel vm15, $0xFFFFFFFF, v0;
	v14 =	vadd.s32 v20, v14;
	v9 =	vadd.s32 v58, v60;
	s0 =	ssub.s32 $0x200, s10  }
0x146: {  	v63 =	vsel vm4, $0xFFFFFFFF, v0;
	v12 =	vadd.s32 v61, v12;
	v62 =	vadd.s32 v16, v14;
	s31 =	sshrl.u32 s0, $0x1E  }
0x147: {  	v11 =	vadd.s32 v63, v11;
	v12 =	vadd.s32 v17, v12;
	s1 =	sadd.s32 s31, s0  }
0x148: {  	v11 =	vadd.s32 v18, v11;
	s1 =	sand.u32 $0xFFFFFFFC, s1  }
0x149: {  	[tilespmem:v10+s19+$0x0] =	vst.idx.msk vm3, v4;
	v4 =	vadd.s32 v2, v15;
	p0 =	slt.s32 s1, $0x1  }
.Ltmp13:
0x14a: {  	[tilespmem:v9+s19+$0x0] =	vst.idx.msk vm6, v5;
	(pc) =	sbr.rel @p0 .LBB2_16-.Ltmp13, $4  }
0x14b: {  	[tilespmem:v62+s19+$0x0] =	vst.idx.msk vm11, v6  }
0x14c: {  	[tilespmem:v12+s19+$0x0] =	vst.idx.msk vm15, v7  }
0x14d: {  	[tilespmem:v11+s19+$0x0] =	vst.idx.msk vm4, v8  }
0x14e: {  	[tilespmem:v4+s19+$0x0] =	vst.idx.msk $0xffff, v0;
	s3 =	sadd.s32 s10, s1  }
0x14f: {  	s4 =	sshll.u32 s10, $0x6;
	s10 =	sadd.s32 $0x4, s10  }
0x150: {  	p0 =	slt.s32 s10, s3  }
.Ltmp14:
0x151: {  	s4 =	sshra.s32 s4, $0x2;
	(pc) =	sbr.rel @!p0 .LBB2_15-.Ltmp14, $4  }
0x152: {  	s6 =	sadd.s32 $0xA120, s4  }
0x153: {  	[tilespmem:s6+$0xFFFFFFE0] =	vst v0  }
0x154: {  	[tilespmem:s6+$0x10] =	vst v0  }
0x155: {  	[tilespmem:s6+$0x0] =	vst v0  }
.LBB2_14:
0x156: {  	s10 =	sadd.s32 $0x4, s10  }
0x157: {  	[tilespmem:s6+$0xFFFFFFF0] =	vst v0;
	s6 =	sadd.s32 $0x40, s6;
	p0 =	slt.s32 s10, s3  }
.Ltmp15:
0x158: {  	[tilespmem:s6+$0xFFFFFFE0] =	vst v0;
	(pc) =	sbr.rel @p0 .LBB2_14-.Ltmp15, $3  }
0x159: {  	_ =	sdelay $0x1  }
0x15a: {  	[tilespmem:s6+$0x10] =	vst v0  }
0x15b: {  	[tilespmem:s6+$0x0] =	vst v0  }
.LBB2_15:
0x15c: {  	[tilespmem:s6+$0xFFFFFFF0] =	vst v0  }
.LBB2_16:
0x15d: {  	p0 =	sgt.s32 s3, $0x1FF  }
.Ltmp16:
0x15e: {  	_ = 	snop;
	(pc) =	sbr.rel @p0 .LBB2_30-.Ltmp16, $2  }
0x15f: {  	_ =	sdelay $0x2  }
0x160: {  	s3 =	simm.s32 $0xA100  }
0x161: {  	s0 =	ssub.s32 s0, s1  }
0x162: {  	s1 =	sshll.u32 s0, $0x6  }
0x163: {  	s1 =	ssub.s32 $0x0, s1  }
0x164: {  	s1 =	sshra.s32 s1, $0x2  }
0x165: {  	s1 =	sadd.s32 $0xC100, s1  }
.LBB2_18:
0x166: {  	p0 =	seq.s32 s0, $0x1  }
.Ltmp17:
0x167: {  	_ = 	snop;
	(pc) =	sbr.rel @!p0 .LBB2_18-.Ltmp17, $2  }
0x168: {  	_ =	sdelay $0x2  }
0x169: {  	[tilespmem:s1+$0x0] =	vst v0;
	s1 =	sadd.s32 $0x10, s1;
	s0 =	sadd.s32 $0xFFFFFFFF, s0  }
.Ltmp18:
0x16a: {  	_ = 	snop;
	(pc) =	sbr.rel .LBB2_30-.Ltmp18, $1  }
0x16b: {  	_ =	sdelay $0x3  }
.LBB2_28:
0x16c: {  	p0 =	sne.s32 s21, $0x0  }
.Ltmp19:
0x16d: {  	_ = 	snop;
	(pc) =	sbr.rel @p0 .LBB2_31-.Ltmp19, $1  }
0x16e: {  	_ =	sdelay $0x3  }
0x16f: {  	s3 =	simm.s32 $0x0  }
.LBB2_30:
0x170: {  	s0 =	rddreg [dreg:$0x6]  }
0x171: {  	[hbm4b:s0+s8] =	stream.strided.scatter [tilespmem:s3], [sflag:$0x1], $0x2000, s9, s8, $0x38;
	[tilespmem:$0xC180] =	vst v63  }
0x172: {  	_ =	swait.ge [sflag:s11], $0x2000  }
0x173: {  	[sflag:s11] =	ssyncset.done $0x0  }
0x174: {  	[sflag:s11] =	ssyncadd.s32 $0xFFFFE000  }
.LBB2_31:
0x175: {  	s0 =	rddreg [dreg:$0x7]  }
0x176: {  	[tilespmem:s2], [sflag:$0x1] =	stream.strided.gather [hbm4b:s0+s8], $0x2000, s9, s8, $0x38;
	[tilespmem:$0xC180] =	vst v63  }
0x177: {  	_ =	swait.ge [sflag:s11], $0x2000  }
0x178: {  	[sflag:s11] =	ssyncset.done $0x0  }
0x179: {  	s1 =	simm.s32 $0x2000;
	s28 =	rddreg [dreg:$0x8];
	[sflag:s11] =	ssyncadd.s32 $0xFFFFE000  }
0x17a: {  	[tilespmem:s1], [sflag:$0x1] =	stream.strided.gather [hbm4b:s28+s8], $0x2000, s9, s8, $0x38;
	[tilespmem:$0xC180] =	vst v63  }
0x17b: {  	_ =	swait.ge [sflag:s11], $0x2000  }
0x17c: {  	[sflag:s11] =	ssyncset.done $0x0  }
0x17d: {  	s30 =	simm.s32 $0x4000;
	s29 =	rddreg [dreg:$0x9];
	[sflag:s11] =	ssyncadd.s32 $0xFFFFE000  }
0x17e: {  	[tilespmem:s30], [sflag:$0x1] =	stream.strided.gather [hbm4b:s29+s8], $0x2000, s9, s8, $0x38;
	[tilespmem:$0xC180] =	vst v63  }
0x17f: {  	_ =	swait.ge [sflag:s11], $0x2000  }
0x180: {  	[sflag:s11] =	ssyncset.done $0x0  }
0x181: {  	s31 =	simm.s32 $0x20;
	[sflag:s11] =	ssyncadd.s32 $0xFFFFE000  }
0x182: {  	v4 =	vld [tilespmem:s31+$0xFFFFFFE0]  }
0x183: {  	v5 =	vld [tilespmem:s31+$0xFFFFFFF0]  }
0x184: {  	v7 =	vld [tilespmem:s31+$0x0];
	_ =	sdelay $0x1  }
0x185: {  	v9 =	vld [tilespmem:s31+$0x10]  }
0x186: {  	vm3 =	vgt.s32 v4, $0x0  }
0x187: {  	s0 =	simm.s32 $0x60;
	v4 =	vmpcnt.ones.xlane vm3;
	vm3 =	vgt.s32 v5, $0x0  }
0x188: {  	v8 =	vimm.s32 $0x0;
	v6 =	vld [tilespmem:s0+$0xFFFFFFE0];
	v10 =	vmpcnt.ones.xlane vm3;
	vm3 =	vgt.s32 v7, $0x0  }
0x189: {  	v5 =	vld [tilespmem:s0+$0xFFFFFFF0];
	v7 =	vadd.s32 v8, v4;
	v11 =	vmpcnt.ones.xlane vm3  }
0x18a: {  	v4 =	vld [tilespmem:s0+$0x0];
	vm3 =	vgt.s32 v9, $0x0;
	v9 =	vadd.s32 v10, v7  }
0x18b: {  	s21 =	simm.s32 $0x0;
	s1 =	simm.s32 $0x4;
	v7 =	vld [tilespmem:s0+$0x10];
	v10 =	vmpcnt.ones.xlane vm3;
	v11 =	vadd.s32 v11, v9  }
.LBB2_32:
0x18c: {  	s1 =	sadd.s32 $0x4, s1  }
0x18d: {  	vm3 =	vgt.s32 v6, $0x0;
	s0 =	sadd.s32 $0x40, s0;
	v9 =	vadd.s32 v10, v11;
	p0 =	slt.u32 s1, $0x1FC  }
.Ltmp20:
0x18e: {  	v6 =	vld [tilespmem:s0+$0xFFFFFFE0];
	v10 =	vmpcnt.ones.xlane vm3;
	vm3 =	vgt.s32 v5, $0x0;
	(pc) =	sbr.rel @p0 .LBB2_32-.Ltmp20, $4  }
0x18f: {  	v5 =	vld [tilespmem:s0+$0xFFFFFFF0];
	v11 =	vmpcnt.ones.xlane vm3;
	vm3 =	vgt.s32 v4, $0x0  }
0x190: {  	v4 =	vld [tilespmem:s0+$0x0];
	v9 =	vadd.s32 v9, v10;
	v12 =	vmpcnt.ones.xlane vm3;
	vm3 =	vgt.s32 v7, $0x0  }
0x191: {  	v7 =	vld [tilespmem:s0+$0x10];
	v9 =	vadd.s32 v11, v9;
	v10 =	vmpcnt.ones.xlane vm3  }
0x192: {  	v11 =	vadd.s32 v12, v9  }
0x193: {  	s0 =	simm.s32 $0x2020  }
0x194: {  	vm3 =	vgt.s32 v6, $0x0;
	s1 =	simm.s32 $0x4020;
	v9 =	vld [tilespmem:s0+$0xFFFFFFF0]  }
0x195: {  	v12 =	vmpcnt.ones.xlane vm3;
	vm3 =	vgt.s32 v5, $0x0;
	v5 =	vld [tilespmem:s1+$0x10]  }
0x196: {  	v10 =	vadd.s32 v10, v11;
	v6 =	vld [tilespmem:s1+$0x0];
	v11 =	vmpcnt.ones.xlane vm3;
	vm3 =	vgt.s32 v4, $0x0  }
0x197: {  	v13 =	vld [tilespmem:s0+$0x10];
	v4 =	vadd.s32 v10, v12;
	v10 =	vmpcnt.ones.xlane vm3;
	vm3 =	vgt.s32 v7, $0x0  }
0x198: {  	v7 =	vld [tilespmem:s1+$0xFFFFFFE0];
	v4 =	vadd.s32 v11, v4;
	v12 =	vmpcnt.ones.xlane vm3  }
0x199: {  	v11 =	vld [tilespmem:s0+$0x0];
	v4 =	vadd.s32 v10, v4  }
0x19a: {  	v10 =	vld [tilespmem:s0+$0xFFFFFFE0];
	v4 =	vadd.s32 v12, v4  }
0x19b: {  	vm10 =	vlt.s32 v9, v4  }
0x19c: {  	vm15 =	vlt.s32 v5, v4;
	v14 =	vsel vm10, $0x1, v0  }
0x19d: {  	v12 =	vld [tilespmem:s1+$0xFFFFFFF0];
	vm3 =	vlt.s32 v6, v4;
	vm14 =	vlt.s32 v13, v4;
	v15 =	vsel vm15, $0x1, v0;
	(xrf0) =	vadd.scan.msk.s32 $0xffff, v14  }
0x19e: {  	v17 =	vsel vm10, $0xFFFFFFFF, v0;
	vm9 =	vlt.s32 v7, v4;
	v18 =	vsel vm14, $0xFFFFFFFF, v0;
	(xrf0) =	vadd.scan.msk.s32 $0xffff, v15  }
0x19f: {  	vm11 =	vlt.s32 v11, v4;
	v14 =	vsel vm14, $0x1, v0;
	vm13 =	vlt.s32 v10, v4  }
0x1a0: {  	v21 =	vsel vm3, $0x1, v0;
	(xrf0) =	vadd.scan.msk.s32 $0xffff, v14;
	v14 =	vsel vm11, $0x1, v0;
	v20 =	vmpcnt.ones.xlane vm13  }
0x1a1: {  	v23 =	vmpcnt.ones.xlane vm14;
	v28 =	vsel vm9, $0x1, v0;
	v15 =	vmpcnt.ones.xlane vm10;
	(xrf0) =	vadd.scan.msk.s32 $0xffff, v14  }
0x1a2: {  	vm12 =	vlt.s32 v12, v4;
	v22 =	vsel vm13, $0x1, v0;
	(xrf0) =	vadd.scan.msk.s32 $0xffff, v21;
	v20 =	vadd.s32 v8, v20  }
0x1a3: {  	v26 =	vsel vm12, $0x1, v0;
	v21 =	vmpcnt.ones.xlane vm11;
	v15 =	vadd.s32 v20, v15;
	v27, _, _ =	vpop (xrf0);
	(xrf0) =	vadd.scan.msk.s32 $0xffff, v22  }
0x1a4: {  	v29 =	vmpcnt.ones.xlane vm9;
	v19 =	vsel vm11, $0xFFFFFFFF, v0;
	v25 =	vsel vm13, $0xFFFFFFFF, v0;
	v14, _, _ =	vpop (xrf0);
	(xrf0) =	vadd.scan.msk.s32 $0xffff, v26  }
0x1a5: {  	v16 =	vsel vm12, $0xFFFFFFFF, v0;
	v17 =	vadd.s32 v17, v20;
	v24 =	vadd.s32 v15, v21  }
0x1a6: {  	v30 =	vadd.s32 v19, v15;
	v19 =	vmpcnt.ones.xlane vm12;
	v18 =	vadd.s32 v18, v24;
	v15, _, _ =	vpop (xrf0);
	(xrf0) =	vadd.scan.msk.s32 $0xffff, v28  }
0x1a7: {  	v21 =	vadd.s32 v25, v8;
	v22 =	vadd.s32 v8, v29;
	v20 =	vadd.s32 v15, v18;
	v15, _, _ =	vpop (xrf0)  }
0x1a8: {  	s22 =	simm.s32 $0x4060;
	s23 =	simm.s32 $0x2060;
	v19 =	vadd.s32 v22, v19;
	v18 =	vadd.s32 v27, v17;
	v15 =	vadd.s32 v15, v30;
	v17, _, _ =	vpop (xrf0)  }
.LBB2_34:
0x1a9: {  	v25 =	vld [tilespmem:s23+$0xFFFFFFF0];
	s21 =	sadd.s32 $0x4, s21;
	v26 =	vsel vm9, $0xFFFFFFFF, v0;
	v27 =	vadd.s32 v24, v23;
	v23, _, _ =	vpop (xrf0);
	vm4 =	vmmov vm15  }
0x1aa: {  	v16 =	vadd.s32 v16, v22;
	vm5 =	vmmov vm3;
	v24 =	vld [tilespmem:s22+$0x10];
	p0 =	slt.u32 s21, $0x1FC;
	v21 =	vadd.s32 v23, v21;
	v22, _, _ =	vpop (xrf0)  }
0x1ab: {  	v23 =	vld [tilespmem:s22+$0x0];
	v16 =	vadd.s32 v22, v16;
	v22 =	vmpcnt.ones.xlane vm5  }
0x1ac: {  	v8 =	vadd.s32 v26, v8;
	v26 =	vsel vm4, $0xFFFFFFFF, v0;
	[tilespmem:v20+s17+$0x0] =	vst.idx.msk vm14, v13;
	v13 =	vld [tilespmem:s23+$0x10];
	v20 =	vmpcnt.ones.xlane vm4;
	v28, _, _ =	vpop (xrf0)  }
0x1ad: {  	v29 =	vld [tilespmem:s22+$0xFFFFFFE0];
	v28 =	vadd.s32 v28, v8;
	[tilespmem:v18+s17+$0x0] =	vst.idx.msk vm10, v9;
	v8 =	vsel vm5, $0xFFFFFFFF, v0;
	v18 =	vadd.s32 v19, v22  }
0x1ae: {  	vm10 =	vlt.s32 v25, v4;
	v22 =	vld [tilespmem:s23+$0x0];
	v8 =	vadd.s32 v8, v19;
	v19 =	vadd.s32 v26, v18;
	v9 =	vmovc v25  }
0x1af: {  	v25 =	vld [tilespmem:s22+$0xFFFFFFF0];
	v26 =	vsel vm10, $0x1, v0;
	vm15 =	vlt.s32 v24, v4;
	[tilespmem:v21+s17+$0x0] =	vst.idx.msk vm13, v10;
	v14 =	vadd.s32 v14, v19  }
0x1b0: {  	v10 =	vld [tilespmem:s23+$0xFFFFFFE0];
	v19 =	vsel vm15, $0x1, v0;
	(xrf0) =	vadd.scan.msk.s32 $0xffff, v26;
	[tilespmem:v15+s17+$0x0] =	vst.idx.msk vm11, v11;
	v15 =	vadd.s32 v17, v8  }
0x1b1: {  	vm3 =	vlt.s32 v23, v4;
	v8 =	vadd.s32 v18, v20;
	[tilespmem:v16+s18+$0x0] =	vst.idx.msk vm12, v12  }
0x1b2: {  	v17 =	vsel vm10, $0xFFFFFFFF, v0;
	vm14 =	vlt.s32 v13, v4;
	[tilespmem:v28+s18+$0x0] =	vst.idx.msk vm9, v7;
	v7 =	vmov v29  }
0x1b3: {  	v16 =	vsel vm14, $0x1, v0;
	vm9 =	vlt.s32 v7, v4;
	vm11 =	vlt.s32 v22, v4;
	(xrf0) =	vadd.scan.msk.s32 $0xffff, v19;
	v11 =	vmovc v22  }
0x1b4: {  	v18 =	vmpcnt.ones.xlane vm10;
	v19 =	vsel vm14, $0xFFFFFFFF, v0;
	vm12 =	vlt.s32 v25, v4;
	(xrf0) =	vadd.scan.msk.s32 $0xffff, v16;
	v12 =	vmovc v25  }
0x1b5: {  	v20 =	vsel vm11, $0xFFFFFFFF, v0;
	v16 =	vsel vm11, $0x1, v0;
	vm13 =	vlt.s32 v10, v4;
	[tilespmem:v15+s18+$0x0] =	vst.idx.msk vm5, v6;
	v6 =	vmovc v23  }
0x1b6: {  	v22 =	vsel vm3, $0x1, v0;
	v15 =	vsel vm13, $0x1, v0;
	v21 =	vmpcnt.ones.xlane vm13;
	v25, _, _ =	vpop (xrf0);
	(xrf0) =	vadd.scan.msk.s32 $0xffff, v16  }
0x1b7: {  	v26 =	vsel vm13, $0xFFFFFFFF, v0;
	v16 =	vsel vm12, $0xFFFFFFFF, v0;
	(xrf0) =	vadd.scan.msk.s32 $0xffff, v22;
	[tilespmem:v14+s18+$0x0] =	vst.idx.msk vm4, v5;
	v5 =	vmovc v24  }
0x1b8: {  	v22 =	vsel vm12, $0x1, v0;
	v28 =	vadd.s32 v27, v21;
	v21 =	vmpcnt.ones.xlane vm11;
	(xrf0) =	vadd.scan.msk.s32 $0xffff, v15  }
.Ltmp21:
0x1b9: {  	v23 =	vmpcnt.ones.xlane vm14;
	v15 =	vsel vm9, $0x1, v0;
	v30 =	vadd.s32 v28, v18;
	(xrf0) =	vadd.scan.msk.s32 $0xffff, v22;
	v14, _, _ =	vpop (xrf0);
	(pc) =	sbr.rel @p0 .LBB2_34-.Ltmp21, $4  }
0x1ba: {  	v22 =	vmpcnt.ones.xlane vm9;
	v29 =	vadd.s32 v20, v30;
	v24 =	vadd.s32 v30, v21;
	v18, _, _ =	vpop (xrf0)  }
0x1bb: {  	v21 =	vadd.s32 v26, v27;
	v26 =	vmpcnt.ones.xlane vm12;
	v19 =	vadd.s32 v19, v24;
	(xrf0) =	vadd.scan.msk.s32 $0xffff, v15  }
0x1bc: {  	v22 =	vadd.s32 v8, v22;
	v15 =	vadd.s32 v17, v28;
	v20 =	vadd.s32 v18, v19;
	v17, _, _ =	vpop (xrf0)  }
0x1bd: {  	s22 =	sadd.s32 $0x40, s22;
	s23 =	sadd.s32 $0x40, s23;
	v18 =	vadd.s32 v25, v15;
	v19 =	vadd.s32 v22, v26;
	v15 =	vadd.s32 v17, v29;
	v17, _, _ =	vpop (xrf0)  }
0x1be: {  	v23 =	vxor.u32 $0x80000000, v4  }
0x1bf: {  	(xrf0) =	vmax.scan.msk.u32 $0xffff, v23;
	_ =	sdelay $0x2  }
0x1c0: {  	v57, _, _ =	vpop (xrf0)  }
0x1c1: {  	v24, _, _ =	vpop (xrf0)  }
0x1c2: {  	v25, _, _ =	vpop (xrf0)  }
0x1c3: {  	v26, _, _ =	vpop (xrf0)  }
0x1c4: {  	(v2sf) =	vpush v26, $0xF;
	_ =	sdelay $0x3  }
0x1c5: {  	(v2sf) =	vpush v4, $0xD  }
0x1c6: {  	(v2sf) =	vpush v4, $0xC;
	_ =	sdelay $0x1  }
0x1c7: {  	(v2sf) =	vpush v4, $0xE  }
0x1c8: {  	(v2sf) =	vpush v4, $0xF  }
0x1c9: {  	(v2sf) =	vpush v4, $0x9  }
0x1ca: {  	(v2sf) =	vpush v4, $0x8  }
0x1cb: {  	(v2sf) =	vpush v4, $0xA  }
0x1cc: {  	(v2sf) =	vpush v4, $0xB  }
0x1cd: {  	(v2sf) =	vpush v4, $0x0  }
0x1ce: {  	(v2sf) =	vpush v4, $0x1  }
0x1cf: {  	(v2sf) =	vpush v4, $0x2;
	s3 =	spop (v2sf)  }
0x1d0: {  	(v2sf) =	vpush v4, $0x3;
	s4 =	sxor.u32 $0x80000000, s3  }
0x1d1: {  	(v2sf) =	vpush v4, $0x4;
	s0 =	smulhi.u32 $0x66666667, s4;
	s1 =	sshra.s32 s4, $0x1F  }
0x1d2: {  	(v2sf) =	vpush v4, $0x5;
	s5 =	smul.u32 $0x66666667, s1  }
0x1d3: {  	s6 =	spop (v2sf);
	(v2sf) =	vpush v4, $0x6  }
0x1d4: {  	s28 =	spop (v2sf);
	(v2sf) =	vpush v4, $0x7;
	s5 =	sadd.s32 s5, s0  }
0x1d5: {  	s7 =	sshrl.u32 s5, $0x1F;
	s5 =	sshra.s32 s5, $0x2  }
0x1d6: {  	s23 =	spop (v2sf);
	s5 =	sadd.s32 s7, s5  }
0x1d7: {  	p1 =	sgt.s32 s3, $0xFFFFFFFF;
	s24 =	spop (v2sf);
	s7 =	smul.u32 $0xFFFFFFF6, s5  }
0x1d8: {  	v16 =	vadd.s32 v16, v22;
	p0 =	slt.s32 s4, $0x1;
	s25 =	ssub.s32 $0x0, s4;
	s22 =	spop (v2sf)  }
0x1d9: {  	v58 =	vsel vm9, $0xFFFFFFFF, v0;
	vm3 =	vmmov vm3;
	vm4 =	vmmov vm15;
	p0 =	por p1, p0;
	s1 =	spop (v2sf);
	p6 =	sne.s32 s7, s25  }
0x1da: {  	[tilespmem:v20+s17+$0x0] =	vst.idx.msk vm14, v13;
	v21 =	vadd.s32 v57, v21;
	v59 =	vmpcnt.ones.xlane vm3;
	v61 =	vsel vm3, $0xFFFFFFFF, v0;
	s0 =	spop (v2sf);
	p0 =	por !p0, !p6  }
0x1db: {  	v8 =	vadd.s32 v58, v8;
	v16 =	vadd.s32 v24, v16;
	v13 =	vadd.s32 v61, v19;
	s3 =	simm.s32 $0x1;
	s26 =	spop (v2sf);
	p0 =	por !p0, !p0  }
0x1dc: {  	v60 =	vsel vm4, $0xFFFFFFFF, v0;
	v62 =	vadd.s32 v19, v59;
	v13 =	vadd.s32 v17, v13;
	s29 =	spop (v2sf);
	s3 =	simm.s32 @!p0 $0x0  }
0x1dd: {  	[tilespmem:v18+s17+$0x0] =	vst.idx.msk vm10, v9;
	v8 =	vadd.s32 v25, v8;
	v63 =	vadd.s32 v60, v62;
	s15 =	spop (v2sf);
	s4 =	ssub.s32 s5, s3  }
0x1de: {  	[tilespmem:v15+s17+$0x0] =	vst.idx.msk vm11, v11;
	v9 =	vadd.s32 v14, v63;
	s16 =	spop (v2sf);
	p0 =	slt.s32 s4, $0x1  }
.Ltmp22:
0x1df: {  	[tilespmem:v21+s17+$0x0] =	vst.idx.msk vm13, v10;
	s10 =	spop (v2sf);
	(pc) =	sbr.rel @p0 .LBB2_60-.Ltmp22, $4  }
0x1e0: {  	[tilespmem:v16+s18+$0x0] =	vst.idx.msk vm12, v12;
	s31 =	spop (v2sf)  }
0x1e1: {  	[tilespmem:v13+s18+$0x0] =	vst.idx.msk vm3, v6;
	s30 =	spop (v2sf)  }
0x1e2: {  	[tilespmem:v8+s18+$0x0] =	vst.idx.msk vm9, v7;
	s25 =	spop (v2sf)  }
0x1e3: {  	[tilespmem:v9+s18+$0x0] =	vst.idx.msk vm15, v5;
	s3 =	spop (v2sf)  }
0x1e4: {  	[dreg:$0xd] =	wrdreg s4;
	s4 =	smulhi.u32 $0x66666667, s6  }
0x1e5: {  	s5 =	sshra.s32 s6, $0x1F;
	s6 =	smulhi.u32 $0x66666667, s28  }
0x1e6: {  	s8 =	smulhi.u32 $0x66666667, s23  }
0x1e7: {  	s11 =	smulhi.u32 $0x66666667, s24  }
0x1e8: {  	s13 =	smulhi.u32 $0x66666667, s22  }
0x1e9: {  	s20 =	smulhi.u32 $0x66666667, s1  }
0x1ea: {  	s14 =	sshra.s32 s22, $0x1F;
	s22 =	smulhi.u32 $0x66666667, s0  }
0x1eb: {  	s21 =	smulhi.u32 $0x66666667, s26  }
0x1ec: {  	s7 =	sshra.s32 s28, $0x1F;
	s5 =	smul.u32 $0x66666667, s5  }
0x1ed: {  	s9 =	sshra.s32 s23, $0x1F;
	s7 =	smul.u32 $0x66666667, s7  }
0x1ee: {  	s12 =	sshra.s32 s24, $0x1F;
	s9 =	smul.u32 $0x66666667, s9  }
0x1ef: {  	s12 =	smul.u32 $0x66666667, s12  }
0x1f0: {  	s23 =	sshra.s32 s1, $0x1F;
	s14 =	smul.u32 $0x66666667, s14  }
0x1f1: {  	s24 =	sshra.s32 s0, $0x1F;
	s1 =	smul.u32 $0x66666667, s23  }
0x1f2: {  	s28 =	sshra.s32 s26, $0x1F;
	s23 =	smul.u32 $0x66666667, s24  }
0x1f3: {  	s26 =	smul.u32 $0x66666667, s28  }
0x1f4: {  	s24 =	sadd.s32 s5, s4;
	s4 =	smulhi.u32 $0x66666667, s29;
	s29 =	sshra.s32 s29, $0x1F  }
0x1f5: {  	s28 =	sadd.s32 s7, s6;
	s7 =	sadd.s32 s9, s8;
	s9 =	smulhi.u32 $0x66666667, s15  }
0x1f6: {  	s8 =	sadd.s32 s12, s11;
	s0 =	sadd.s32 s14, s13;
	s12 =	smulhi.u32 $0x66666667, s16  }
0x1f7: {  	s16 =	sshra.s32 s16, $0x1F;
	s1 =	sadd.s32 s1, s20;
	s6 =	smul.u32 $0x66666667, s29  }
0x1f8: {  	s26 =	sadd.s32 s26, s21;
	s5 =	sshrl.u32 s24, $0x1F;
	s13 =	smul.u32 $0x66666667, s16  }
0x1f9: {  	s29 =	sshra.s32 s15, $0x1F;
	s15 =	sshrl.u32 s28, $0x1F;
	s16 =	smulhi.u32 $0x66666667, s10  }
0x1fa: {  	s11 =	smul.u32 $0x66666667, s29;
	s29 =	sadd.s32 s23, s22;
	s22 =	sshra.s32 s10, $0x1F  }
0x1fb: {  	s14 =	sshrl.u32 s7, $0x1F;
	s20 =	sshrl.u32 s8, $0x1F;
	s10 =	smul.u32 $0x66666667, s22  }
0x1fc: {  	s23 =	sshra.s32 s3, $0x1F;
	s4 =	sadd.s32 s6, s4;
	s6 =	smulhi.u32 $0x66666667, s3  }
0x1fd: {  	s21 =	sshrl.u32 s0, $0x1F;
	s3 =	smul.u32 $0x66666667, s23;
	s9 =	sadd.s32 s11, s9  }
0x1fe: {  	vm3 =	vcmask $0x300;
	vm4 =	vcmask $0x704;
	v6 =	vmov s15;
	s11 =	sadd.s32 s13, s12;
	s12 =	smulhi.u32 $0x66666667, s31;
	s31 =	sshra.s32 s31, $0x1F  }
0x1ff: {  	vm12 =	vcmask $0x2B28;
	vm5 =	vcmask $0x1F1C;
	s0 =	sshra.s32 s0, $0x2;
	v6 =	vsel vm0, s5, v6;
	s13 =	smul.u32 $0x66666667, s31;
	s31 =	sadd.s32 s3, s6  }
0x200: {  	vm13 =	vcmask $0x3330;
	vm14 =	vcmask $0x3734;
	s22 =	sshrl.u32 s1, $0x1F;
	s1 =	sshra.s32 s1, $0x2;
	v6 =	vsel vm1, s14, v6;
	s23 =	sshra.s32 s31, $0x1F  }
0x201: {  	s5 =	smulhi.u32 $0x66666667, s30;
	v8 =	vmov s22;
	v9 =	vmov s1;
	s6 =	sadd.s32 s10, s16;
	s16 =	sshra.s32 s4, $0x2;
	v5 =	vmov s23  }
0x202: {  	s3 =	sshrl.u32 s29, $0x1F;
	v6 =	vsel vm2, s20, v6;
	v8 =	vsel vm0, s21, v8;
	s23 =	sshrl.u32 s4, $0x1F;
	s4 =	sshra.s32 s4, $0x1F;
	v5 =	vsel vm3, s16, v5  }
0x203: {  	s14 =	sshrl.u32 s11, $0x1F;
	v9 =	vsel vm0, s0, v9;
	v7 =	vmov s23;
	s23 =	sshra.s32 s30, $0x1F;
	s30 =	sshra.s32 s9, $0x2;
	v5 =	vsel vm4, s4, v5  }
0x204: {  	s20 =	sshrl.u32 s6, $0x1F;
	s16 =	sshrl.u32 s9, $0x1F;
	s9 =	sshra.s32 s9, $0x1F;
	v7 =	vnsel vm3, $0x0, v7;
	vm3 =	vcmask $0xF0C;
	v5 =	vsel vm0, s30, v5  }
0x205: {  	v8 =	vsel vm1, s3, v8;
	s12 =	sadd.s32 s13, s12;
	s13 =	sshrl.u32 s26, $0x1F;
	v7 =	vsel vm0, s16, v7;
	s16 =	sshra.s32 s11, $0x2;
	v5 =	vsel vm3, s9, v5  }
0x206: {  	v8 =	vsel vm2, s13, v8;
	s23 =	smul.u32 $0x66666667, s23;
	s30 =	sshra.s32 s25, $0x1F;
	s11 =	sshra.s32 s11, $0x1F;
	vm3 =	vcmask $0x1714;
	v5 =	vsel vm1, s16, v5  }
0x207: {  	v6 =	vcombine.low v8, v6;
	v7 =	vsel vm1, s14, v7;
	s22 =	smul.u32 $0x66666667, s30;
	s30 =	sshra.s32 s6, $0x2;
	s14 =	sshra.s32 s28, $0x2;
	v5 =	vsel vm3, s11, v5  }
0x208: {  	s10 =	smulhi.u32 $0x66666667, s25;
	s6 =	sshra.s32 s6, $0x1F;
	v7 =	vsel vm2, s20, v7;
	s16 =	sshra.s32 s24, $0x2;
	v62 =	vmov s14;
	v5 =	vsel vm2, s30, v5  }
0x209: {  	s13 =	sshra.s32 s12, $0x2;
	s25 =	sshrl.u32 s12, $0x1F;
	s23 =	sadd.s32 s23, s5;
	vm3 =	vcmask $0x2320;
	v8 =	vsel vm0, s16, v62;
	v5 =	vsel vm5, s6, v5  }
0x20a: {  	s21 =	sshra.s32 s7, $0x2;
	s15 =	sshra.s32 s12, $0x1F;
	s5 =	sshrl.u32 s23, $0x1F;
	v7 =	vsel vm3, s25, v7;
	v5 =	vsel vm3, s13, v5;
	vm3 =	vcmask $0x2724  }
0x20b: {  	v6 =	vperm.xlane v6, v1;
	s20 =	sshra.s32 s23, $0x2;
	s10 =	sadd.s32 s22, s10;
	s22 =	sshra.s32 s29, $0x2;
	v8 =	vsel vm1, s21, v8;
	v5 =	vsel vm3, s15, v5  }
0x20c: {  	s23 =	sshra.s32 s23, $0x1F;
	s24 =	sshra.s32 s8, $0x2;
	v9 =	vsel vm1, s22, v9;
	s25 =	sshra.s32 s26, $0x2;
	vm3 =	vcmask $0x2F2C;
	v5 =	vsel vm12, s20, v5  }
0x20d: {  	v63 =	vld [tilespmem:$0x1FFF0];
	s26 =	sshra.s32 s10, $0x2;
	v8 =	vsel vm2, s24, v8;
	v9 =	vsel vm2, s25, v9;
	v5 =	vsel vm3, s23, v5  }
0x20e: {  	s11 =	sshrl.u32 s10, $0x1F;
	s29 =	sshra.s32 s10, $0x1F;
	v7 =	vsel vm12, s5, v7;
	v8 =	vcombine.low v9, v8;
	v5 =	vsel vm13, s26, v5  }
0x20f: {  	s28 =	sshrl.u32 s31, $0x1F;
	s30 =	sshra.s32 s31, $0x2;
	v7 =	vsel vm13, s11, v7;
	vm3 =	vcmask $0x3B38;
	v5 =	vsel vm14, s29, v5  }
0x210: {  	v8 =	vperm.xlane v8, v1;
	v7 =	vsel vm3, s28, v7;
	v5 =	vsel vm3, s30, v5  }
0x211: {  	s31 =	rddreg [dreg:$0xd];
	v7 =	vperm.xlane v7, v3;
	v5 =	vperm.xlane v5, v3  }
0x212: {  	s23 =	sadd.s32 $0xF, s31;
	vm3 =	vnez.u8 v63  }
0x213: {  	s21 =	sshrl.u32 s23, $0x4;
	v6 =	vsel vm3, v7, v6;
	v5 =	vsel vm3, v5, v8  }
0x214: {  	s22 =	sand.u32 $0x7FFFFFC, s21;
	v5 =	vadd.s32 v6, v5  }
0x215: {  	p0 =	seq.s32 s22, $0x0;
	v6 =	vmul.u32 $0xFFFFFFF6, v5  }
.Ltmp23:
0x216: {  	v7 =	vsub.s32 $0x0, v4;
	(pc) =	sbr.rel @p0 .LBB2_39-.Ltmp23, $4  }
0x217: {  	vm3 =	vlt.s32 v4, $0x1;
	vm15 =	vne.s32 v6, v7  }
0x218: {  	vm3 =	vmand vm3, vm15  }
0x219: {  	v6 =	vsel vm3, $0xFFFFFFFF, v0  }
0x21a: {  	v5 =	vadd.s32 v6, v5  }
0x21b: {  	s0 =	simm.s32 $0x80A0  }
0x21c: {  	v6 =	vld [tilespmem:s0+$0x10]  }
0x21d: {  	p2 =	sgt.u32 s22, $0x4;
	v9 =	vld [tilespmem:s0+$0x0]  }
.Ltmp24:
0x21e: {  	_ = 	snop;
	(pc) =	sbr.rel @!p2 .LBB2_38-.Ltmp24, $4  }
0x21f: {  	s1 =	simm.s32 $0x0;
	s3 =	simm.s32 $0x30  }
0x220: {  	vm10 =	vgt.s32 v4, $0x659;
	s31 =	simm.s32 $0x20;
	v7 =	vor.u32 s1, v2;
	v10 =	vor.u32 s3, v2  }
0x221: {  	p0 =	por $0x0, $0x0;
	v8 =	vld [tilespmem:s0+$0xFFFFFFF0];
	v16 =	vor.u32 s31, v2;
	vm4 =	vlt.s32 v10, v5;
	v6 =	vsel vm10, v6, v10  }
0x222: {  	p1 =	por $0x0, $0x0;
	s1 =	simm.s32 $0x10;
	vm9 =	vlt.s32 v7, v5;
	v10 =	vld [tilespmem:s0+$0xFFFFFFE0];
	v18 =	vsel vm10, v9, v16;
	s0 =	simm.s32 $0x40;
	v6 =	vnsel vm4, $0x0, v6  }
0x223: {  	_ =	sdelay $0x1  }
0x224: {  	v9 =	vor.u32 s1, v2;
	vm3 =	vlt.s32 v16, v5;
	s29 =	simm.s32 $0x80E0  }
0x225: {  	v11 =	vnsel vm3, $0x0, v18;
	v14 =	vld [tilespmem:s29+$0x10];
	vm6 =	vlt.s32 v9, v5;
	v8 =	vsel vm10, v8, v9  }
0x226: {  	p2 =	sgt.u32 s22, $0x8;
	v15 =	vld [tilespmem:s29+$0x0];
	v17 =	vnsel vm6, $0x0, v8  }
.Ltmp25:
0x227: {  	v13 =	vor.u32 s0, v2;
	vm5 =	vmmov vm4;
	v12 =	vld.idx.msk [tilespmem:v6+s17+$0x0], $0xffff;
	(pc) =	sbr.rel @!p2 .LBB2_49-.Ltmp25, $4  }
0x228: {  	vm11 =	vmmov vm9;
	s30 =	simm.s32 $0x70;
	s31 =	simm.s32 $0x60;
	vm12 =	vmmov vm3;
	v7 =	vsel vm10, v10, v7;
	v8 =	vld [tilespmem:s29+$0xFFFFFFF0]  }
0x229: {  	v16 =	vor.u32 s31, v2;
	v10 =	vld [tilespmem:s29+$0xFFFFFFE0];
	v9 =	vnsel vm9, $0x0, v7;
	v7 =	vor.u32 s30, v2  }
0x22a: {  	vm3 =	vmmov vm5;
	vm4 =	vlt.s32 v7, v5;
	v6 =	vsel vm10, v14, v7;
	v11 =	vld.idx.msk [tilespmem:v11+s17+$0x0], $0xffff  }
0x22b: {  	s1 =	simm.s32 $0x50;
	s0 =	simm.s32 $0x80;
	p0 =	por $0x1, $0x1;
	vm9 =	vlt.s32 v13, v5;
	v18 =	vsel vm10, v15, v16;
	v6 =	vnsel vm4, $0x0, v6;
	v14 =	vld.idx.msk [tilespmem:v17+s17+$0x0], $0xffff  }
0x22c: {  	_ =	sdelay $0x2  }
0x22d: {  	v7 =	vor.u32 s0, v2;
	v15 =	vor.u32 s1, v2;
	vm8 =	vlt.s32 v16, v5  }
0x22e: {  	vm7 =	vmmov vm4;
	v16 =	vld.idx.msk [tilespmem:v9+s17+$0x0], $0xffff;
	s24 =	simm.s32 $0x8120;
	v20 =	vnsel vm3, $0x0, v12;
	vm13 =	vmmov vm12  }
0x22f: {  	v8 =	vsel vm10, v8, v15;
	v18 =	vnsel vm8, $0x0, v18;
	v19 =	vld [tilespmem:s24+$0x10];
	vm5 =	vlt.s32 v15, v5  }
0x230: {  	vm15 =	vmmov vm11;
	vm14 =	vmmov vm6;
	p2 =	sgt.u32 s22, $0xC;
	v21 =	vld [tilespmem:s24+$0x0];
	v22 =	vnsel vm5, $0x0, v8  }
.Ltmp26:
0x231: {  	vm11 =	vmmov vm9;
	s30 =	simm.s32 $0xB0;
	v12 =	vld.idx.msk [tilespmem:v6+s17+$0x0], $0xffff;
	vm12 =	vmmov vm8;
	v9 =	vsel vm10, v10, v13;
	(pc) =	sbr.rel @!p2 .LBB2_51-.Ltmp26, $4  }
0x232: {  	v8 =	vld [tilespmem:s24+$0xFFFFFFF0];
	v9 =	vnsel vm9, $0x0, v9;
	v13 =	vnsel vm13, $0x0, v11;
	v11 =	vor.u32 s30, v2  }
0x233: {  	s31 =	simm.s32 $0xA0;
	v10 =	vld [tilespmem:s24+$0xFFFFFFE0];
	vm9 =	vlt.s32 v7, v5;
	v15 =	vnsel vm14, $0x0, v14;
	vm4 =	vlt.s32 v11, v5  }
0x234: {  	s0 =	simm.s32 $0xC;
	v17 =	vnsel vm15, $0x0, v16;
	v16 =	vor.u32 s31, v2;
	v6 =	vsel vm10, v19, v11;
	v11 =	vld.idx.msk [tilespmem:v18+s17+$0x0], $0xffff  }
0x235: {  	s1 =	simm.s32 $0x90;
	s6 =	simm.s32 $0xC0;
	p1 =	por $0x1, $0x1;
	[tilespmem:v20+s2+$0x0] =	vst.idx.msk vm3, v0;
	vm3 =	vmmov vm7;
	v18 =	vsel vm10, v21, v16;
	v6 =	vnsel vm4, $0x0, v6;
	v14 =	vld.idx.msk [tilespmem:v22+s17+$0x0], $0xffff  }
.LBB2_52:
0x236: {  	v19 =	vor.u32 s6, v2  }
0x237: {  	s0 =	sadd.s32 $0x4, s0;
	v20 =	vor.u32 s1, v2;
	vm7 =	vlt.s32 v16, v5;
	v16 =	vld.idx.msk [tilespmem:v9+s17+$0x0], $0xffff;
	vm6 =	vmmov vm4  }
0x238: {  	s24 =	sadd.s32 $0x40, s24;
	p2 =	slt.u32 s0, s22;
	v10 =	vsel vm10, v10, v7;
	v8 =	vsel vm10, v8, v20;
	v18 =	vnsel vm7, $0x0, v18;
	[tilespmem:v15+s2+$0x0] =	vst.idx.msk vm14, v0  }
0x239: {  	v7 =	vmovc v19;
	vm14 =	vmmov vm5;
	vm5 =	vlt.s32 v20, v5;
	v21 =	vld [tilespmem:s24+$0x10];
	v9 =	vnsel vm9, $0x0, v10;
	[tilespmem:v17+s2+$0x0] =	vst.idx.msk vm15, v0  }
0x23a: {  	v20 =	vnsel vm5, $0x0, v8;
	v22 =	vnsel vm3, $0x0, v12;
	v19 =	vld [tilespmem:s24+$0x0];
	[tilespmem:v13+s2+$0x0] =	vst.idx.msk vm13, v0;
	vm13 =	vmmov vm12  }
.Ltmp27:
0x23b: {  	vm15 =	vmmov vm11;
	vm11 =	vmmov vm9;
	vm12 =	vmmov vm7;
	v8 =	vld [tilespmem:s24+$0xFFFFFFF0];
	(pc) =	sbr.rel @p2 .LBB2_52-.Ltmp27, $4  }
0x23c: {  	s1 =	sadd.s32 $0x30, s6;
	vm9 =	vlt.s32 v7, v5;
	v15 =	vnsel vm14, $0x0, v14;
	v13 =	vnsel vm13, $0x0, v11;
	v10 =	vld [tilespmem:s24+$0xFFFFFFE0]  }
0x23d: {  	s3 =	sadd.s32 $0x20, s6;
	v11 =	vor.u32 s1, v2;
	v17 =	vnsel vm15, $0x0, v16;
	v12 =	vld.idx.msk [tilespmem:v6+s17+$0x0], $0xffff  }
0x23e: {  	v16 =	vor.u32 s3, v2;
	vm4 =	vlt.s32 v11, v5;
	v6 =	vsel vm10, v21, v11;
	v11 =	vld.idx.msk [tilespmem:v18+s17+$0x0], $0xffff  }
0x23f: {  	s1 =	sadd.s32 $0x10, s6;
	s6 =	sadd.s32 $0x40, s6;
	v18 =	vsel vm10, v19, v16;
	v6 =	vnsel vm4, $0x0, v6;
	v14 =	vld.idx.msk [tilespmem:v20+s17+$0x0], $0xffff;
	[tilespmem:v22+s2+$0x0] =	vst.idx.msk vm3, v0;
	vm3 =	vmmov vm6  }
0x240: {  	vm6 =	vmmov vm5  }
.LBB2_54:
0x241: {  	_ = 	snop  }
0x242: {  	v7 =	vsel vm10, v10, v7  }
0x243: {  	v19 =	vor.u32 s1, v2;
	vm7 =	vlt.s32 v16, v5;
	v7 =	vnsel vm9, $0x0, v7  }
0x244: {  	v8 =	vsel vm10, v8, v19;
	vm5 =	vlt.s32 v19, v5;
	v62 =	vnsel vm7, $0x0, v18  }
0x245: {  	v9 =	vld.idx.msk @p0 [tilespmem:v9+s17+$0x0], $0xffff;
	v8 =	vnsel vm5, $0x0, v8  }
0x246: {  	vm4 =	vmmov vm4;
	v6 =	vld.idx.msk [tilespmem:v6+s17+$0x0], $0xffff  }
0x247: {  	vm6 =	vmmov @p0 vm6;
	vm8 =	vmmov @p0 vm12;
	v12 =	vnsel @p0 vm3, $0x0, v12  }
0x248: {  	[tilespmem:v15+s2+$0x0] =	vst.idx.msk @p1 vm14, v0;
	vm14 =	vmmov vm9;
	v11 =	vnsel @p0 vm8, $0x0, v11;
	vm8 =	vmmov @p0 vm8;
	v7 =	vld.idx.msk [tilespmem:v7+s17+$0x0], $0xffff  }
0x249: {  	v14 =	vnsel @p0 vm6, $0x0, v14;
	vm6 =	vmmov @p0 vm6;
	v11 =	vpsel p0, v11, v0;
	v10 =	vld.idx.msk [tilespmem:v62+s17+$0x0], $0xffff  }
0x24a: {  	vm10 =	vmmov @p0 vm11;
	vm4 =	vmmov vm4;
	v14 =	vpsel p0, v14, v0;
	v8 =	vld.idx.msk [tilespmem:v8+s17+$0x0], $0xffff  }
0x24b: {  	[tilespmem:v17+s2+$0x0] =	vst.idx.msk @p1 vm15, v0;
	v9 =	vnsel @p0 vm10, $0x0, v9;
	vm10 =	vmmov @p0 vm10;
	v6 =	vnsel vm4, $0x0, v6  }
0x24c: {  	vm7 =	vmmov vm7;
	v9 =	vpsel p0, v9, v0;
	[tilespmem:v12+s2+$0x0] =	vst.idx.msk @p0 vm3, v0;
	vm3 =	vmmov vm14  }
0x24d: {  	[tilespmem:v13+s2+$0x0] =	vst.idx.msk @p1 vm13, v0;
	vm15 =	vmmov vm7;
	v7 =	vnsel vm3, $0x0, v7  }
0x24e: {  	vm5 =	vmmov vm5;
	[tilespmem:v11+s2+$0x0] =	vst.idx.msk @p0 vm8, v0;
	v63 =	vnsel vm15, $0x0, v10  }
0x24f: {  	[tilespmem:v14+s2+$0x0] =	vst.idx.msk @p0 vm6, v0;
	v8 =	vnsel vm5, $0x0, v8  }
0x250: {  	[tilespmem:v6+s2+$0x0] =	vst.idx.msk vm4, v0  }
0x251: {  	[tilespmem:v9+s2+$0x0] =	vst.idx.msk @p0 vm10, v0  }
0x252: {  	[tilespmem:v7+s2+$0x0] =	vst.idx.msk vm14, v0  }
0x253: {  	[tilespmem:v63+s2+$0x0] =	vst.idx.msk vm7, v0  }
0x254: {  	[tilespmem:v8+s2+$0x0] =	vst.idx.msk vm5, v0  }
.LBB2_39:
0x255: {  	p0 =	sne.s32 s22, s21  }
.Ltmp28:
0x256: {  	_ = 	snop;
	(pc) =	sbr.rel @!p0 .LBB2_40-.Ltmp28, $1  }
0x257: {  	_ =	sdelay $0x3  }
0x258: {  	s0 =	sshll.u32 s23, $0x2  }
0x259: {  	s0 =	sshra.s32 s0, $0x2  }
0x25a: {  	s0 =	sand.u32 $0xFFFFFFC0, s0  }
0x25b: {  	s1 =	sand.u32 $0x7FFFFFC0, s23;
	s0 =	sadd.s32 $0x8080, s0  }
.LBB2_56:
0x25c: {  	v6 =	vld [tilespmem:s0+$0x0];
	_ =	sdelay $0x3  }
0x25d: {  	vm3 =	vgt.s32 v4, $0x659;
	v7 =	vor.u32 s1, v2  }
0x25e: {  	vm4 =	vlt.s32 v7, v5;
	v6 =	vsel vm3, v6, v7  }
0x25f: {  	v6 =	vnsel vm4, $0x0, v6;
	_ =	sdelay $0x4  }
0x260: {  	v6 =	vld.idx.msk [tilespmem:v6+s17+$0x0], $0xffff;
	_ =	sdelay $0x3  }
0x261: {  	s22 =	sadd.s32 $0x1, s22  }
0x262: {  	p0 =	slt.u32 s22, s21;
	v6 =	vnsel vm4, $0x0, v6  }
.Ltmp29:
0x263: {  	_ = 	snop;
	(pc) =	sbr.rel @p0 .LBB2_56-.Ltmp29, $2  }
0x264: {  	_ =	sdelay $0x2  }
0x265: {  	s0 =	sadd.s32 $0x10, s0;
	s1 =	sadd.s32 $0x10, s1;
	[tilespmem:v6+s2+$0x0] =	vst.idx.msk vm4, v0  }
.LBB2_40:
0x266: {  	s0 =	simm.s32 $0x20  }
0x267: {  	v12 =	vld [tilespmem:s0+$0xFFFFFFE0]  }
0x268: {  	v13 =	vld [tilespmem:s0+$0x10]  }
0x269: {  	v14 =	vld [tilespmem:s0+$0x0]  }
0x26a: {  	v4 =	vld [tilespmem:s0+$0xFFFFFFF0];
	_ =	sdelay $0x2  }
0x26b: {  	v7 =	vimm.s32 $0x0;
	vm3 =	vgt.s32 v12, $0x0  }
0x26c: {  	vm4 =	vgt.s32 v13, $0x0;
	vm5 =	vgt.s32 v14, $0x0;
	v5 =	vsel vm3, $0x1, v0  }
0x26d: {  	vm6 =	vgt.s32 v4, $0x0;
	v6 =	vsel vm4, $0x1, v0;
	(xrf0) =	vadd.scan.msk.s32 $0xffff, v5;
	v5 =	vmpcnt.ones.xlane vm3  }
0x26e: {  	v8 =	vsel vm5, $0x1, v0;
	v9 =	vmpcnt.ones.xlane vm6;
	vm9 =	vmmov vm4;
	(xrf0) =	vadd.scan.msk.s32 $0xffff, v6  }
0x26f: {  	vm4 =	vmmov vm3;
	(xrf0) =	vadd.scan.msk.s32 $0xffff, v8;
	v10 =	vadd.s32 v7, v5;
	v8 =	vmpcnt.ones.xlane vm5  }
0x270: {  	s21 =	simm.s32 $0x60;
	v15 =	vsel vm4, $0xFFFFFFFF, v0;
	v9 =	vadd.s32 v10, v9  }
0x271: {  	v6 =	vsel vm6, $0x1, v0;
	v5 =	vld [tilespmem:s21+$0xFFFFFFE0];
	v16 =	vadd.s32 v9, v8;
	v8 =	vsel vm9, $0xFFFFFFFF, v0  }
0x272: {  	v15 =	vadd.s32 v15, v7;
	v7 =	vld [tilespmem:s21+$0x0];
	(xrf0) =	vadd.scan.msk.s32 $0xffff, v6  }
0x273: {  	v6 =	vld [tilespmem:s21+$0x10]  }
0x274: {  	vm7 =	vmmov vm5;
	v17 =	vadd.s32 v8, v16;
	v8, _, _ =	vpop (xrf0)  }
0x275: {  	v18 =	vsel vm7, $0xFFFFFFFF, v0;
	vm3 =	vmmov vm6;
	v15 =	vadd.s32 v8, v15;
	v19, _, _ =	vpop (xrf0)  }
0x276: {  	v58 =	vsel vm3, $0xFFFFFFFF, v0;
	v9 =	vadd.s32 v18, v9;
	v8 =	vld [tilespmem:s21+$0xFFFFFFF0];
	v17 =	vadd.s32 v19, v17;
	v59, _, _ =	vpop (xrf0)  }
0x277: {  	v11 =	vmpcnt.ones.xlane vm9;
	v10 =	vadd.s32 v58, v10;
	v60 =	vadd.s32 v59, v9  }
0x278: {  	vm6 =	vgt.s32 v5, $0x0;
	vm5 =	vgt.s32 v7, $0x0;
	vm11 =	vgt.s32 v6, $0x0;
	v61, _, _ =	vpop (xrf0)  }
0x279: {  	v62 =	vsel vm6, $0x1, v0;
	v63 =	vsel vm11, $0x1, v0;
	v10 =	vadd.s32 v61, v10  }
0x27a: {  	(xrf0) =	vadd.scan.msk.s32 $0xffff, v62;
	v9 =	vadd.s32 v16, v11;
	v11 =	vmpcnt.ones.xlane vm6;
	[tilespmem:v15+s19+$0x0] =	vst.idx.msk vm4, v12  }
0x27b: {  	s8 =	simm.s32 $0x80;
	(xrf0) =	vadd.scan.msk.s32 $0xffff, v63;
	vm4 =	vgt.s32 v8, $0x0;
	v15 =	vsel vm5, $0x1, v0;
	[tilespmem:v17+s19+$0x0] =	vst.idx.msk vm9, v13  }
0x27c: {  	s9 =	simm.s32 $0x400;
	s11 =	simm.s32 $0x1;
	s0 =	simm.s32 $0x4;
	v13 =	vsel vm4, $0x1, v0;
	v12 =	vmpcnt.ones.xlane vm4;
	(xrf0) =	vadd.scan.msk.s32 $0xffff, v15;
	[tilespmem:v60+s19+$0x0] =	vst.idx.msk vm7, v14  }
.LBB2_41:
0x27d: {  	v11 =	vadd.s32 v9, v11;
	v14 =	vmpcnt.ones.xlane vm5  }
0x27e: {  	s0 =	sadd.s32 $0x4, s0;
	(xrf0) =	vadd.scan.msk.s32 $0xffff, v13;
	[tilespmem:v10+s19+$0x0] =	vst.idx.msk vm3, v4;
	v4 =	vmovc v8;
	vm12 =	vmmov vm6;
	vm9 =	vmmov vm11  }
0x27f: {  	s21 =	sadd.s32 $0x40, s21;
	vm10 =	vmmov vm5;
	p0 =	slt.u32 s0, $0x1FC;
	v10 =	vadd.s32 v11, v12;
	v17 =	vmpcnt.ones.xlane vm9  }
0x280: {  	v13 =	vsel vm12, $0xFFFFFFFF, v0;
	v15 =	vsel vm9, $0xFFFFFFFF, v0;
	v12 =	vld [tilespmem:s21+$0xFFFFFFE0];
	v14 =	vadd.s32 v10, v14  }
0x281: {  	v13 =	vadd.s32 v13, v9;
	v16 =	vld [tilespmem:s21+$0x10];
	v15 =	vadd.s32 v15, v14;
	v9 =	vadd.s32 v14, v17;
	v8, _, _ =	vpop (xrf0)  }
0x282: {  	vm3 =	vmmov vm4;
	v20 =	vsel vm10, $0xFFFFFFFF, v0;
	v14 =	vld [tilespmem:s21+$0x0];
	v13 =	vadd.s32 v8, v13;
	v18, _, _ =	vpop (xrf0)  }
0x283: {  	v19 =	vsel vm3, $0xFFFFFFFF, v0;
	v20 =	vadd.s32 v20, v10;
	v8 =	vld [tilespmem:s21+$0xFFFFFFF0];
	v15 =	vadd.s32 v18, v15;
	v17, _, _ =	vpop (xrf0)  }
0x284: {  	v11 =	vadd.s32 v19, v11;
	v17 =	vadd.s32 v17, v20;
	v10, _, _ =	vpop (xrf0)  }
.Ltmp30:
0x285: {  	vm6 =	vgt.s32 v12, $0x0;
	v10 =	vadd.s32 v10, v11;
	(pc) =	sbr.rel @p0 .LBB2_41-.Ltmp30, $4  }
0x286: {  	v18 =	vsel vm6, $0x1, v0;
	v11 =	vmpcnt.ones.xlane vm6;
	vm11 =	vgt.s32 v16, $0x0  }
0x287: {  	vm5 =	vgt.s32 v14, $0x0;
	v19 =	vsel vm11, $0x1, v0;
	(xrf0) =	vadd.scan.msk.s32 $0xffff, v18;
	[tilespmem:v13+s19+$0x0] =	vst.idx.msk vm12, v5;
	v5 =	vmovc v12  }
0x288: {  	vm4 =	vgt.s32 v8, $0x0;
	v18 =	vsel vm5, $0x1, v0;
	(xrf0) =	vadd.scan.msk.s32 $0xffff, v19;
	[tilespmem:v15+s19+$0x0] =	vst.idx.msk vm9, v6;
	v6 =	vmovc v16  }
0x289: {  	v13 =	vsel vm4, $0x1, v0;
	v12 =	vmpcnt.ones.xlane vm4;
	(xrf0) =	vadd.scan.msk.s32 $0xffff, v18;
	[tilespmem:v17+s19+$0x0] =	vst.idx.msk vm10, v7;
	v7 =	vmovc v14  }
0x28a: {  	v11 =	vadd.s32 v9, v11;
	v14 =	vmpcnt.ones.xlane vm5;
	vm9 =	vmmov vm11  }
0x28b: {  	v12 =	vadd.s32 v11, v12;
	v15 =	vmpcnt.ones.xlane vm9  }
0x28c: {  	v14 =	vadd.s32 v12, v14  }
0x28d: {  	v15 =	vadd.s32 v14, v15  }
0x28e: {  	(xrf0) =	vadd.scan.msk.s32 $0xffff, v13;
	v57 =	vxor.u32 $0x80000000, v15  }
0x28f: {  	(xrf0) =	vmax.scan.msk.u32 $0xffff, v57;
	_ =	sdelay $0x1  }
0x290: {  	v58, _, _ =	vpop (xrf0)  }
0x291: {  	v16, _, _ =	vpop (xrf0)  }
0x292: {  	v17, _, _ =	vpop (xrf0)  }
0x293: {  	v18, _, _ =	vpop (xrf0)  }
0x294: {  	v19, _, _ =	vpop (xrf0)  }
0x295: {  	(v2sf) =	vpush v19, $0xF;
	_ =	sdelay $0xe  }
0x296: {  	s0 =	spop (v2sf)  }
0x297: {  	s0 =	sadd.s32 $0x8000000F, s0  }
0x298: {  	s1 =	sand.u32 $0xF, s0  }
0x299: {  	s3 =	sshra.s32 s0, $0x1F;
	p0 =	slt.s32 s0, $0x1;
	p1 =	sne.s32 s1, $0x0  }
0x29a: {  	s30 =	sshrl.u32 s3, $0x1C;
	p0 =	por !p0, !p1  }
0x29b: {  	vm6 =	vmmov vm6;
	s1 =	simm.s32 $0x1;
	s0 =	sadd.s32 s30, s0;
	p0 =	por !p0, !p0  }
0x29c: {  	vm15 =	vmmov vm5;
	v59 =	vsel vm6, $0xFFFFFFFF, v0;
	s0 =	sshra.s32 s0, $0x4;
	s1 =	simm.s32 @!p0 $0x0  }
0x29d: {  	vm4 =	vmmov vm4;
	v20 =	vsel vm9, $0xFFFFFFFF, v0;
	v60 =	vadd.s32 v59, v9;
	s10 =	ssub.s32 s0, s1  }
0x29e: {  	v61 =	vsel vm15, $0xFFFFFFFF, v0;
	v14 =	vadd.s32 v20, v14;
	v9 =	vadd.s32 v58, v60;
	s0 =	ssub.s32 $0x200, s10  }
0x29f: {  	v63 =	vsel vm4, $0xFFFFFFFF, v0;
	v12 =	vadd.s32 v61, v12;
	v62 =	vadd.s32 v16, v14;
	s31 =	sshrl.u32 s0, $0x1E  }
0x2a0: {  	v11 =	vadd.s32 v63, v11;
	v12 =	vadd.s32 v17, v12;
	s1 =	sadd.s32 s31, s0  }
0x2a1: {  	v11 =	vadd.s32 v18, v11;
	s1 =	sand.u32 $0xFFFFFFFC, s1  }
0x2a2: {  	[tilespmem:v10+s19+$0x0] =	vst.idx.msk vm3, v4;
	v4 =	vadd.s32 v2, v15;
	p0 =	slt.s32 s1, $0x1  }
.Ltmp31:
0x2a3: {  	[tilespmem:v9+s19+$0x0] =	vst.idx.msk vm6, v5;
	(pc) =	sbr.rel @p0 .LBB2_46-.Ltmp31, $4  }
0x2a4: {  	[tilespmem:v62+s19+$0x0] =	vst.idx.msk vm11, v6  }
0x2a5: {  	[tilespmem:v12+s19+$0x0] =	vst.idx.msk vm15, v7  }
0x2a6: {  	[tilespmem:v11+s19+$0x0] =	vst.idx.msk vm4, v8  }
0x2a7: {  	[tilespmem:v4+s19+$0x0] =	vst.idx.msk $0xffff, v0;
	s3 =	sadd.s32 s10, s1  }
0x2a8: {  	s4 =	sshll.u32 s10, $0x6;
	s10 =	sadd.s32 $0x4, s10  }
0x2a9: {  	p0 =	slt.s32 s10, s3  }
.Ltmp32:
0x2aa: {  	s4 =	sshra.s32 s4, $0x2;
	(pc) =	sbr.rel @!p0 .LBB2_45-.Ltmp32, $4  }
0x2ab: {  	s6 =	sadd.s32 $0xA120, s4  }
0x2ac: {  	[tilespmem:s6+$0xFFFFFFE0] =	vst v0  }
0x2ad: {  	[tilespmem:s6+$0x10] =	vst v0  }
0x2ae: {  	[tilespmem:s6+$0x0] =	vst v0  }
.LBB2_44:
0x2af: {  	s10 =	sadd.s32 $0x4, s10  }
0x2b0: {  	[tilespmem:s6+$0xFFFFFFF0] =	vst v0;
	s6 =	sadd.s32 $0x40, s6;
	p0 =	slt.s32 s10, s3  }
.Ltmp33:
0x2b1: {  	[tilespmem:s6+$0xFFFFFFE0] =	vst v0;
	(pc) =	sbr.rel @p0 .LBB2_44-.Ltmp33, $3  }
0x2b2: {  	_ =	sdelay $0x1  }
0x2b3: {  	[tilespmem:s6+$0x10] =	vst v0  }
0x2b4: {  	[tilespmem:s6+$0x0] =	vst v0  }
.LBB2_45:
0x2b5: {  	[tilespmem:s6+$0xFFFFFFF0] =	vst v0  }
.LBB2_46:
0x2b6: {  	p0 =	sgt.s32 s3, $0x1FF  }
.Ltmp34:
0x2b7: {  	_ = 	snop;
	(pc) =	sbr.rel @p0 .LBB2_47-.Ltmp34, $2  }
0x2b8: {  	_ =	sdelay $0x2  }
0x2b9: {  	s3 =	simm.s32 $0xA100  }
0x2ba: {  	s0 =	ssub.s32 s0, s1  }
0x2bb: {  	s1 =	sshll.u32 s0, $0x6  }
0x2bc: {  	s1 =	ssub.s32 $0x0, s1  }
0x2bd: {  	s1 =	sshra.s32 s1, $0x2  }
0x2be: {  	s1 =	sadd.s32 $0xC100, s1  }
.LBB2_58:
0x2bf: {  	p0 =	seq.s32 s0, $0x1  }
.Ltmp35:
0x2c0: {  	_ = 	snop;
	(pc) =	sbr.rel @!p0 .LBB2_58-.Ltmp35, $2  }
0x2c1: {  	_ =	sdelay $0x2  }
0x2c2: {  	[tilespmem:s1+$0x0] =	vst v0;
	s1 =	sadd.s32 $0x10, s1;
	s0 =	sadd.s32 $0xFFFFFFFF, s0  }
.Ltmp36:
0x2c3: {  	(pc) =	sbr.rel .LBB2_62-.Ltmp36, $2  }
0x2c4: {  	_ =	sdelay $0x2  }
0x2c5: {  	s1 =	rddreg [dreg:$0xc]  }
.LBB2_60:
0x2c6: {  	p0 =	sne.s32 s4, $0x0  }
.Ltmp37:
0x2c7: {  	_ = 	snop;
	(pc) =	sbr.rel @p0 .LBB2_63-.Ltmp37, $2  }
0x2c8: {  	_ =	sdelay $0x2  }
0x2c9: {  	s1 =	rddreg [dreg:$0xc]  }
.Ltmp38:
0x2ca: {  	(pc) =	sbr.rel .LBB2_62-.Ltmp38, $2  }
0x2cb: {  	_ =	sdelay $0x2  }
0x2cc: {  	s3 =	simm.s32 $0x0  }
.LBB2_8:
.Ltmp39:
0x2cd: {  	(pc) =	sbr.rel .LBB2_25-.Ltmp39, $2  }
0x2ce: {  	_ =	sdelay $0x2  }
0x2cf: {  	_ = 	snop  }
.LBB2_38:
.Ltmp40:
0x2d0: {  	(pc) =	sbr.rel .LBB2_54-.Ltmp40, $2  }
0x2d1: {  	_ =	sdelay $0x2  }
0x2d2: {  	_ = 	snop  }
.LBB2_20:
.Ltmp41:
0x2d3: {  	(pc) =	sbr.rel .LBB2_25-.Ltmp41, $2  }
0x2d4: {  	_ =	sdelay $0x2  }
0x2d5: {  	v7 =	vmov v13  }
.LBB2_49:
.Ltmp42:
0x2d6: {  	(pc) =	sbr.rel .LBB2_54-.Ltmp42, $2  }
0x2d7: {  	_ =	sdelay $0x2  }
0x2d8: {  	v7 =	vmov v13  }
.LBB2_22:
.Ltmp43:
0x2d9: {  	(pc) =	sbr.rel .LBB2_25-.Ltmp43, $2  }
0x2da: {  	_ =	sdelay $0x2  }
0x2db: {  	vm6 =	vmmov vm5  }
.LBB2_51:
.Ltmp44:
0x2dc: {  	(pc) =	sbr.rel .LBB2_54-.Ltmp44, $2  }
0x2dd: {  	_ =	sdelay $0x2  }
0x2de: {  	vm6 =	vmmov vm5  }
.LBB2_64:
0x2df: {  	_ =	sfence.sel $0x180000  }
0x2e0: {  	[bflag:$0x0] =	sbarrier.arrive $0xFFFF  }
0x2e1: {  	_ =	strace $0x90000047  }
0x2e2: {  	s0 =	stileid.u32;
	[bflag:$0x2] =	sbarrier.arrive $0xFFFF  }
0x2e3: {  	p0 =	sne.s32 s0, $0x0;
	s0 =	rddreg [dreg:$0x2]  }
0x2e4: {  	s0 =	sadd.s32 @!p0 $0x100000, s0  }
0x2e5: {  	[sflag:s0] =	ssyncadd.tile.s32 @!p0 $0x1;
	_ =	shalt  }
.Lfunc_end2:
_tile_overlayer_lowered:
.L_overlay_start_2:
0x2e6: {  	(tag) =	ssettag $0x2  }
0x2e7: {  	s0 =	rddreg [dreg:$0x0];
	s2 =	stileid.u32  }
0x2e8: {  	s1 =	rddreg [dreg:$0x1];
	p0 =	sne.s32 s2, $0x0  }
0x2e9: {  	s3 =	rddreg [dreg:$0x2];
	[bflag:$0x3] =	sbarrier.arrive $0xFFFF;
	s2 =	simm.s32 @!p0 $0x1C01  }
0x2ea: {  	[timem:s3], [sflag:s2] =	dma.local @!p0 [hbm:s0], s1  }
0x2eb: {  	s0 =	simm.s32 @!p0 $0x1  }
0x2ec: {  	_ =	swait.ge @!p0 [sflag:s0], s1  }
0x2ed: {  	s1 =	ssub.s32 @!p0 $0x0, s1;
	[sflag:s0] =	ssyncset.done @!p0 $0x0  }
0x2ee: {  	[sflag:s0] =	ssyncadd.s32 @!p0 s1  }
0x2ef: {  	[bflag:$0x3] =	sbarrier.arrive $0xFFFF  }
0x2f0: {  	_ =	shalt  }

</sc_bundles>
